<compile_context>
chip_gen: v7x
topology: tpu7x:2x2x1
jax: 0.10.2.dev20260603
libtpu: 0.0.44.dev20260713+nightly
codegen_flags: <defaults>
</compile_context>

<pallas_src>
import functools

import jax
import jax.numpy as jnp
from jax import lax
from jax.experimental import pallas as pl
from jax.experimental.pallas import tpu as pltpu
from jax.experimental.pallas import tpu_sc as plsc

EMB = 16
HID = 80
ND = 8
NC = 2
NS = 16
NW = NC * NS
CHUNK = 128


def _sc_gather_fn(B):
    bpw = B // NW
    nch = bpw // CHUNK
    mesh = plsc.VectorSubcoreMesh(
        core_axis_name="c", subcore_axis_name="s", num_cores=NC, num_subcores=NS
    )

    @functools.partial(
        pl.kernel,
        mesh=mesh,
        out_type=[jax.ShapeDtypeStruct((B, EMB), jnp.float32) for _ in range(5)],
        scratch_types=[pltpu.VMEM((5, nch, CHUNK), jnp.int32)]
        + [pltpu.VMEM((bpw, EMB), jnp.float32) for _ in range(5)]
        + [pltpu.SemaphoreType.DMA],
        compiler_params=pltpu.CompilerParams(use_tc_tiling_on_sc=False),
    )
    def body(idx_hbm, t0, t1, t2, t3, t4, o0, o1, o2, o3, o4, idxv,
             r0, r1, r2, r3, r4, sem):
        wid = lax.axis_index("s") * NC + lax.axis_index("c")
        base = wid * bpw
        pltpu.sync_copy(idx_hbm.at[wid], idxv)
        copies = []
        for f, (tab, rows) in enumerate(
            zip((t0, t1, t2, t3, t4), (r0, r1, r2, r3, r4))
        ):
            for j in range(nch):
                copies.append(
                    pltpu.async_copy(
                        tab.at[idxv.at[f, j]],
                        rows.at[pl.ds(j * CHUNK, CHUNK)],
                        sem,
                    )
                )
        for c in copies:
            c.wait()
        for rows, out in zip((r0, r1, r2, r3, r4), (o0, o1, o2, o3, o4)):
            pltpu.sync_copy(rows, out.at[pl.ds(base, bpw)])

    return body


def _ffn_body(e0, e1, e2, e3, e4, pidr, dk1t, sk1t, db1r, sb1t, dk2r, sk2t,
              db2r, sb2r, dlw, dlb, out):
    blk = out.shape[0]
    e = jnp.concatenate(
        [jnp.maximum(r[...], 0.0) for r in (e0, e1, e2, e3, e4)], axis=1
    )
    d = pidr[...] - 1
    k1 = sk1t[...] * dk1t[...]
    b1 = sb1t[...] + db1r[...]
    h = jnp.maximum(jnp.dot(e, k1, preferred_element_type=jnp.float32) + b1, 0.0)
    col = lax.broadcasted_iota(jnp.int32, (blk, ND * HID), 1) // HID
    hm = jnp.where(col == d, h, 0.0)
    k2 = sk2t[...] * dk2r[...]
    logits = jnp.dot(hm, k2, preferred_element_type=jnp.float32)
    oh = (lax.broadcasted_iota(jnp.int32, (blk, ND), 1) == d).astype(jnp.float32)
    b2 = sb2r[...] + db2r[...]
    logits = logits + jnp.dot(oh, b2, preferred_element_type=jnp.float32)
    ep = jnp.maximum(e0[...], 0.0)
    dl = jnp.sum(ep * dlw[...], axis=1, keepdims=True) + dlb[...]
    out[...] = logits + dl


def kernel(pid, uid, iid, cid, bid, batch_size, emb_pid, emb_uid, emb_iid,
           emb_cid, emb_bid, dk1, db1, dk2, db2, sk1, sb1, sk2, sb2, dl_w,
           dl_b):
    B = pid.shape[0]
    bpw = B // NW
    nch = bpw // CHUNK

    idx_all = (
        jnp.stack([pid, uid, iid, cid, bid])
        .astype(jnp.int32)
        .reshape(5, NW, nch, CHUNK)
        .transpose(1, 0, 2, 3)
    )

    e0, e1, e2, e3, e4 = _sc_gather_fn(B)(
        idx_all, emb_pid, emb_uid, emb_iid, emb_cid, emb_bid
    )

    dk1t = dk1.transpose(1, 0, 2).reshape(HID, ND * HID)
    sk1t = jnp.tile(sk1, (1, ND))
    db1r = db1.reshape(1, ND * HID)
    sb1t = jnp.tile(sb1.reshape(1, HID), (1, ND))
    dk2r = dk2.reshape(ND * HID, HID)
    sk2t = jnp.tile(sk2, (ND, 1))
    db2r = db2.reshape(ND, HID)
    sb2r = sb2.reshape(1, HID)
    dlw = dl_w.reshape(1, EMB)
    dlb = dl_b.reshape(1, 1)
    pid2 = pid.astype(jnp.int32).reshape(B, 1)

    BLK = 512
    grid = B // BLK
    full = lambda b: (0, 0)
    row = lambda b: (b, 0)
    return pl.pallas_call(
        _ffn_body,
        grid=(grid,),
        in_specs=[
            pl.BlockSpec((BLK, EMB), row),
            pl.BlockSpec((BLK, EMB), row),
            pl.BlockSpec((BLK, EMB), row),
            pl.BlockSpec((BLK, EMB), row),
            pl.BlockSpec((BLK, EMB), row),
            pl.BlockSpec((BLK, 1), row),
            pl.BlockSpec((HID, ND * HID), full),
            pl.BlockSpec((HID, ND * HID), full),
            pl.BlockSpec((1, ND * HID), full),
            pl.BlockSpec((1, ND * HID), full),
            pl.BlockSpec((ND * HID, HID), full),
            pl.BlockSpec((ND * HID, HID), full),
            pl.BlockSpec((ND, HID), full),
            pl.BlockSpec((1, HID), full),
            pl.BlockSpec((1, EMB), full),
            pl.BlockSpec((1, 1), full),
        ],
        out_specs=pl.BlockSpec((BLK, HID), row),
        out_shape=jax.ShapeDtypeStruct((B, HID), jnp.float32),
        compiler_params=pltpu.CompilerParams(
            dimension_semantics=("parallel",)
        ),
    )(e0, e1, e2, e3, e4, pid2, dk1t, sk1t, db1r, sb1t, dk2r, sk2t, db2r,
      sb2r, dlw, dlb)

# --- scband reference (transcript-rebuilt; emitter-appended) ---
"""Pipeline reference for scband-star-net-old-38104949850317 (READ-ONLY COPY).

The authoritative reference and input builder live on the scoring server;
editing this copy changes nothing except your own understanding.
"""

import jax, jax.numpy as jnp
import numpy as np

EMB = 16
HID = 80
NUM_DOMAINS = 8
B = 16384
FEATS = [("pid", 8), ("uid", 1000000), ("iid", 1000000), ("cid", 100000), ("bid", 100000)]


def setup_inputs(seed: int = 0):
    key = jax.random.key(seed)
    ks = jax.random.split(key, 32)
    inp = {}
    inp["pid"] = jax.random.randint(ks[0], (B,), 0, 9)
    inp["uid"] = jax.random.randint(ks[1], (B,), 0, 1000000)
    inp["iid"] = jax.random.randint(ks[2], (B,), 0, 1000000)
    inp["cid"] = jax.random.randint(ks[3], (B,), 0, 100000)
    inp["bid"] = jax.random.randint(ks[4], (B,), 0, 100000)
    inp["batch_size"] = B
    for i, (name, vocab) in enumerate(FEATS):
        t = jax.random.normal(ks[6 + i], (vocab + 1, EMB), jnp.float32) * 0.02
        t = t.at[0].set(0.0)  # padding_idx=0
        inp["emb_" + name] = t
    inp["dk1"] = jax.random.normal(ks[12], (NUM_DOMAINS, HID, HID), jnp.float32) * 0.05
    inp["db1"] = jax.random.normal(ks[13], (NUM_DOMAINS, HID, 1), jnp.float32) * 0.05
    inp["dk2"] = jax.random.normal(ks[14], (NUM_DOMAINS, HID, HID), jnp.float32) * 0.05
    inp["db2"] = jax.random.normal(ks[15], (NUM_DOMAINS, HID, 1), jnp.float32) * 0.05
    inp["sk1"] = jax.random.normal(ks[16], (HID, HID), jnp.float32) * 0.05
    inp["sb1"] = jax.random.normal(ks[17], (HID, 1), jnp.float32) * 0.05
    inp["sk2"] = jax.random.normal(ks[18], (HID, HID), jnp.float32) * 0.05
    inp["sb2"] = jax.random.normal(ks[19], (HID, 1), jnp.float32) * 0.05
    inp["dl_w"] = jax.random.normal(ks[20], (1, EMB), jnp.float32) * 0.05
    inp["dl_b"] = jnp.zeros((1,), jnp.float32)
    return inp


def reference(pid, uid, iid, cid, bid, batch_size, emb_pid, emb_uid, emb_iid, emb_cid, emb_bid, dk1, db1, dk2, db2, sk1, sb1, sk2, sb2, dl_w, dl_b):
    # embedding lookup + relu (dropout is identity in eval)
    e_pid = jnp.maximum(jnp.take(emb_pid, pid, axis=0), 0.0)
    e_uid = jnp.maximum(jnp.take(emb_uid, uid, axis=0), 0.0)
    e_iid = jnp.maximum(jnp.take(emb_iid, iid, axis=0), 0.0)
    e_cid = jnp.maximum(jnp.take(emb_cid, cid, axis=0), 0.0)
    e_bid = jnp.maximum(jnp.take(emb_bid, bid, axis=0), 0.0)
    out = jnp.concatenate([e_pid, e_uid, e_iid, e_cid, e_bid], axis=-1)  # [B, 80]
    logits = jnp.zeros((out.shape[0], HID), jnp.float32)
    for i in range(NUM_DOMAINS):
        mask = (pid == i + 1).astype(jnp.float32)[:, None]
        k1 = sk1 * dk1[i]
        b1 = (sb1 + db1[i]).reshape(1, -1)
        h = jax.nn.relu(out @ k1 + b1)
        k2 = sk2 * dk2[i]
        b2 = (sb2 + db2[i]).reshape(1, -1)
        logits = logits + mask * (h @ k2 + b2)
    domain_logits = e_pid @ dl_w.T + dl_b  # [B, 1]
    return logits + domain_logits

if __name__ == "__main__":
    import jax
    _d = setup_inputs()
    print(jax.jit(kernel)(*tuple(_d.values())))

</pallas_src>

<mosaic_0001>
#map = affine_map<(d0, d1) -> (0, 0, 0, 0)>
#map1 = affine_map<(d0, d1) -> (0, 0)>
module attributes {stable_mosaic.version = 14 : i64} {
  func.func @body(%arg0: i32, %arg1: i32, %arg2: memref<32x5x4x128xi32, #tpu.memory_space<hbm>>, %arg3: memref<9x16xf32, #tpu.memory_space<hbm>>, %arg4: memref<1000001x16xf32, #tpu.memory_space<hbm>>, %arg5: memref<1000001x16xf32, #tpu.memory_space<hbm>>, %arg6: memref<100001x16xf32, #tpu.memory_space<hbm>>, %arg7: memref<100001x16xf32, #tpu.memory_space<hbm>>, %arg8: memref<16384x16xf32, #tpu.memory_space<hbm>>, %arg9: memref<16384x16xf32, #tpu.memory_space<hbm>>, %arg10: memref<16384x16xf32, #tpu.memory_space<hbm>>, %arg11: memref<16384x16xf32, #tpu.memory_space<hbm>>, %arg12: memref<16384x16xf32, #tpu.memory_space<hbm>>, %arg13: memref<5x4x128xi32, #tpu.memory_space<vmem>>, %arg14: memref<512x16xf32, #tpu.memory_space<vmem>>, %arg15: memref<512x16xf32, #tpu.memory_space<vmem>>, %arg16: memref<512x16xf32, #tpu.memory_space<vmem>>, %arg17: memref<512x16xf32, #tpu.memory_space<vmem>>, %arg18: memref<512x16xf32, #tpu.memory_space<vmem>>, %arg19: memref<!tpu.dma_semaphore, #tpu.memory_space<semaphore_mem>>) attributes {dimension_semantics = [#tpu.dimension_semantics<core_parallel>, #tpu.dimension_semantics<subcore_parallel>], iteration_bounds = array<i64: 2, 16>, scalar_prefetch = 0 : i64, scratch_operands = 7 : i64, tpu.core_type = #tpu.core_type<sc_vector_subcore>, window_params = [{transform_indices = #map}, {transform_indices = #map1}, {transform_indices = #map1}, {transform_indices = #map1}, {transform_indices = #map1}, {transform_indices = #map1}, {transform_indices = #map1}, {transform_indices = #map1}, {transform_indices = #map1}, {transform_indices = #map1}, {transform_indices = #map1}]} {
    %mul3A = arith.constant 2 : i32
    %mul3A_0 = arith.muli %arg1, %mul3A : i32
    %add3A = arith.addi %mul3A_0, %arg0 : i32
    %mul3A_1 = arith.constant 512 : i32
    %mul3A_2 = arith.muli %add3A, %mul3A_1 : i32
    "tpu.region"() ({
      %run_scoped3A = tpu.sem_alloc : memref<!tpu.dma_semaphore, #tpu.memory_space<semaphore_mem>>
      %dma_start3A_441 = arith.constant 0 : i32
      %dma_start3A_442 = arith.constant 0 : i32
      %dma_start3A_443 = arith.constant 0 : i32
      %dma_start3A_444 = tpu.memref_slice %arg2[%add3A, %dma_start3A_441, %dma_start3A_442, %dma_start3A_443] : memref<32x5x4x128xi32, #tpu.memory_space<hbm>> -> memref<1x5x4x128xi32, #tpu.memory_space<hbm>>
      %dma_start3A_445 = tpu.memref_squeeze %dma_start3A_444 : memref<1x5x4x128xi32, #tpu.memory_space<hbm>> -> memref<5x4x128xi32, #tpu.memory_space<hbm>>
      %dma_start3A_446 = arith.constant 0 : i32
      %dma_start3A_447 = arith.constant 0 : i32
      %dma_start3A_448 = arith.constant 0 : i32
      %dma_start3A_449 = tpu.memref_slice %arg2[%add3A, %dma_start3A_446, %dma_start3A_447, %dma_start3A_448] : memref<32x5x4x128xi32, #tpu.memory_space<hbm>> -> memref<1x5x4x128xi32, #tpu.memory_space<hbm>>
      %dma_start3A_450 = tpu.memref_squeeze %dma_start3A_449 : memref<1x5x4x128xi32, #tpu.memory_space<hbm>> -> memref<5x4x128xi32, #tpu.memory_space<hbm>>
      tpu.enqueue_dma source(%dma_start3A_450 : memref<5x4x128xi32, #tpu.memory_space<hbm>>) target(%arg13 : memref<5x4x128xi32, #tpu.memory_space<vmem>>) target_semaphore(%run_scoped3A : memref<!tpu.dma_semaphore, #tpu.memory_space<semaphore_mem>>)
      %dma_wait3A_451 = arith.constant 0 : i32
      %dma_wait3A_452 = arith.constant 0 : i32
      %dma_wait3A_453 = arith.constant 0 : i32
      %dma_wait3A_454 = tpu.memref_slice %arg2[%add3A, %dma_wait3A_451, %dma_wait3A_452, %dma_wait3A_453] : memref<32x5x4x128xi32, #tpu.memory_space<hbm>> -> memref<1x5x4x128xi32, #tpu.memory_space<hbm>>
      %dma_wait3A_455 = tpu.memref_squeeze %dma_wait3A_454 : memref<1x5x4x128xi32, #tpu.memory_space<hbm>> -> memref<5x4x128xi32, #tpu.memory_space<hbm>>
      %dma_wait3A_456 = arith.constant 0 : i32
      %dma_wait3A_457 = arith.constant 0 : i32
      %dma_wait3A_458 = arith.constant 0 : i32
      %dma_wait3A_459 = tpu.memref_slice %arg2[%add3A, %dma_wait3A_456, %dma_wait3A_457, %dma_wait3A_458] : memref<32x5x4x128xi32, #tpu.memory_space<hbm>> -> memref<1x5x4x128xi32, #tpu.memory_space<hbm>>
      %dma_wait3A_460 = tpu.memref_squeeze %dma_wait3A_459 : memref<1x5x4x128xi32, #tpu.memory_space<hbm>> -> memref<5x4x128xi32, #tpu.memory_space<hbm>>
      tpu.wait_dma2 semaphore(%run_scoped3A : memref<!tpu.dma_semaphore, #tpu.memory_space<semaphore_mem>>) src(%dma_wait3A_460 : memref<5x4x128xi32, #tpu.memory_space<hbm>>) dst(%arg13 : memref<5x4x128xi32, #tpu.memory_space<vmem>>)
      tpu.yield
    }) : () -> ()
    %dma_start3A = arith.constant 0 : i32
    %dma_start3A_3 = arith.constant 0 : i32
    %dma_start3A_4 = arith.constant 0 : i32
    %dma_start3A_5 = arith.constant 0 : i32
    %dma_start3A_6 = tpu.memref_slice %arg14[%dma_start3A_4, %dma_start3A_5] : memref<512x16xf32, #tpu.memory_space<vmem>> -> memref<128x16xf32, #tpu.memory_space<vmem>>
    %dma_start3A_7 = arith.constant 0 : i32
    %dma_start3A_8 = tpu.memref_slice %arg13[%dma_start3A, %dma_start3A_3, %dma_start3A_7] : memref<5x4x128xi32, #tpu.memory_space<vmem>> -> memref<1x1x128xi32, #tpu.memory_space<vmem>>
    %dma_start3A_9 = tpu.memref_squeeze %dma_start3A_8 : memref<1x1x128xi32, #tpu.memory_space<vmem>> -> memref<128xi32, #tpu.memory_space<vmem>>
    %dma_start3A_10 = arith.constant 0 : i32
    %dma_start3A_11 = arith.constant 0 : i32
    %dma_start3A_12 = tpu.memref_slice %arg3[%dma_start3A_10, %dma_start3A_11] : memref<9x16xf32, #tpu.memory_space<hbm>> -> memref<9x16xf32, #tpu.memory_space<hbm>>
    tpu.enqueue_indirect_dma source(%dma_start3A_12 : memref<9x16xf32, #tpu.memory_space<hbm>>) target(%dma_start3A_6 : memref<128x16xf32, #tpu.memory_space<vmem>>) offsets(%dma_start3A_9 : memref<128xi32, #tpu.memory_space<vmem>>) semaphore(%arg19 : memref<!tpu.dma_semaphore, #tpu.memory_space<semaphore_mem>>)
    %dma_start3A_13 = arith.constant 0 : i32
    %dma_start3A_14 = arith.constant 1 : i32
    %dma_start3A_15 = arith.constant 128 : i32
    %dma_start3A_16 = arith.constant 0 : i32
    %dma_start3A_17 = tpu.memref_slice %arg14[%dma_start3A_15, %dma_start3A_16] : memref<512x16xf32, #tpu.memory_space<vmem>> -> memref<128x16xf32, #tpu.memory_space<vmem>>
    %dma_start3A_18 = arith.constant 0 : i32
    %dma_start3A_19 = tpu.memref_slice %arg13[%dma_start3A_13, %dma_start3A_14, %dma_start3A_18] : memref<5x4x128xi32, #tpu.memory_space<vmem>> -> memref<1x1x128xi32, #tpu.memory_space<vmem>>
    %dma_start3A_20 = tpu.memref_squeeze %dma_start3A_19 : memref<1x1x128xi32, #tpu.memory_space<vmem>> -> memref<128xi32, #tpu.memory_space<vmem>>
    %dma_start3A_21 = arith.constant 0 : i32
    %dma_start3A_22 = arith.constant 0 : i32
    %dma_start3A_23 = tpu.memref_slice %arg3[%dma_start3A_21, %dma_start3A_22] : memref<9x16xf32, #tpu.memory_space<hbm>> -> memref<9x16xf32, #tpu.memory_space<hbm>>
    tpu.enqueue_indirect_dma source(%dma_start3A_23 : memref<9x16xf32, #tpu.memory_space<hbm>>) target(%dma_start3A_17 : memref<128x16xf32, #tpu.memory_space<vmem>>) offsets(%dma_start3A_20 : memref<128xi32, #tpu.memory_space<vmem>>) semaphore(%arg19 : memref<!tpu.dma_semaphore, #tpu.memory_space<semaphore_mem>>)
    %dma_start3A_24 = arith.constant 0 : i32
    %dma_start3A_25 = arith.constant 2 : i32
    %dma_start3A_26 = arith.constant 256 : i32
    %dma_start3A_27 = arith.constant 0 : i32
    %dma_start3A_28 = tpu.memref_slice %arg14[%dma_start3A_26, %dma_start3A_27] : memref<512x16xf32, #tpu.memory_space<vmem>> -> memref<128x16xf32, #tpu.memory_space<vmem>>
    %dma_start3A_29 = arith.constant 0 : i32
    %dma_start3A_30 = tpu.memref_slice %arg13[%dma_start3A_24, %dma_start3A_25, %dma_start3A_29] : memref<5x4x128xi32, #tpu.memory_space<vmem>> -> memref<1x1x128xi32, #tpu.memory_space<vmem>>
    %dma_start3A_31 = tpu.memref_squeeze %dma_start3A_30 : memref<1x1x128xi32, #tpu.memory_space<vmem>> -> memref<128xi32, #tpu.memory_space<vmem>>
    %dma_start3A_32 = arith.constant 0 : i32
    %dma_start3A_33 = arith.constant 0 : i32
    %dma_start3A_34 = tpu.memref_slice %arg3[%dma_start3A_32, %dma_start3A_33] : memref<9x16xf32, #tpu.memory_space<hbm>> -> memref<9x16xf32, #tpu.memory_space<hbm>>
    tpu.enqueue_indirect_dma source(%dma_start3A_34 : memref<9x16xf32, #tpu.memory_space<hbm>>) target(%dma_start3A_28 : memref<128x16xf32, #tpu.memory_space<vmem>>) offsets(%dma_start3A_31 : memref<128xi32, #tpu.memory_space<vmem>>) semaphore(%arg19 : memref<!tpu.dma_semaphore, #tpu.memory_space<semaphore_mem>>)
    %dma_start3A_35 = arith.constant 0 : i32
    %dma_start3A_36 = arith.constant 3 : i32
    %dma_start3A_37 = arith.constant 384 : i32
    %dma_start3A_38 = arith.constant 0 : i32
    %dma_start3A_39 = tpu.memref_slice %arg14[%dma_start3A_37, %dma_start3A_38] : memref<512x16xf32, #tpu.memory_space<vmem>> -> memref<128x16xf32, #tpu.memory_space<vmem>>
    %dma_start3A_40 = arith.constant 0 : i32
    %dma_start3A_41 = tpu.memref_slice %arg13[%dma_start3A_35, %dma_start3A_36, %dma_start3A_40] : memref<5x4x128xi32, #tpu.memory_space<vmem>> -> memref<1x1x128xi32, #tpu.memory_space<vmem>>
    %dma_start3A_42 = tpu.memref_squeeze %dma_start3A_41 : memref<1x1x128xi32, #tpu.memory_space<vmem>> -> memref<128xi32, #tpu.memory_space<vmem>>
    %dma_start3A_43 = arith.constant 0 : i32
    %dma_start3A_44 = arith.constant 0 : i32
    %dma_start3A_45 = tpu.memref_slice %arg3[%dma_start3A_43, %dma_start3A_44] : memref<9x16xf32, #tpu.memory_space<hbm>> -> memref<9x16xf32, #tpu.memory_space<hbm>>
    tpu.enqueue_indirect_dma source(%dma_start3A_45 : memref<9x16xf32, #tpu.memory_space<hbm>>) target(%dma_start3A_39 : memref<128x16xf32, #tpu.memory_space<vmem>>) offsets(%dma_start3A_42 : memref<128xi32, #tpu.memory_space<vmem>>) semaphore(%arg19 : memref<!tpu.dma_semaphore, #tpu.memory_space<semaphore_mem>>)
    %dma_start3A_46 = arith.constant 1 : i32
    %dma_start3A_47 = arith.constant 0 : i32
    %dma_start3A_48 = arith.constant 0 : i32
    %dma_start3A_49 = arith.constant 0 : i32
    %dma_start3A_50 = tpu.memref_slice %arg15[%dma_start3A_48, %dma_start3A_49] : memref<512x16xf32, #tpu.memory_space<vmem>> -> memref<128x16xf32, #tpu.memory_space<vmem>>
    %dma_start3A_51 = arith.constant 0 : i32
    %dma_start3A_52 = tpu.memref_slice %arg13[%dma_start3A_46, %dma_start3A_47, %dma_start3A_51] : memref<5x4x128xi32, #tpu.memory_space<vmem>> -> memref<1x1x128xi32, #tpu.memory_space<vmem>>
    %dma_start3A_53 = tpu.memref_squeeze %dma_start3A_52 : memref<1x1x128xi32, #tpu.memory_space<vmem>> -> memref<128xi32, #tpu.memory_space<vmem>>
    %dma_start3A_54 = arith.constant 0 : i32
    %dma_start3A_55 = arith.constant 0 : i32
    %dma_start3A_56 = tpu.memref_slice %arg4[%dma_start3A_54, %dma_start3A_55] : memref<1000001x16xf32, #tpu.memory_space<hbm>> -> memref<1000001x16xf32, #tpu.memory_space<hbm>>
    tpu.enqueue_indirect_dma source(%dma_start3A_56 : memref<1000001x16xf32, #tpu.memory_space<hbm>>) target(%dma_start3A_50 : memref<128x16xf32, #tpu.memory_space<vmem>>) offsets(%dma_start3A_53 : memref<128xi32, #tpu.memory_space<vmem>>) semaphore(%arg19 : memref<!tpu.dma_semaphore, #tpu.memory_space<semaphore_mem>>)
    %dma_start3A_57 = arith.constant 1 : i32
    %dma_start3A_58 = arith.constant 1 : i32
    %dma_start3A_59 = arith.constant 128 : i32
    %dma_start3A_60 = arith.constant 0 : i32
    %dma_start3A_61 = tpu.memref_slice %arg15[%dma_start3A_59, %dma_start3A_60] : memref<512x16xf32, #tpu.memory_space<vmem>> -> memref<128x16xf32, #tpu.memory_space<vmem>>
    %dma_start3A_62 = arith.constant 0 : i32
    %dma_start3A_63 = tpu.memref_slice %arg13[%dma_start3A_57, %dma_start3A_58, %dma_start3A_62] : memref<5x4x128xi32, #tpu.memory_space<vmem>> -> memref<1x1x128xi32, #tpu.memory_space<vmem>>
    %dma_start3A_64 = tpu.memref_squeeze %dma_start3A_63 : memref<1x1x128xi32, #tpu.memory_space<vmem>> -> memref<128xi32, #tpu.memory_space<vmem>>
    %dma_start3A_65 = arith.constant 0 : i32
    %dma_start3A_66 = arith.constant 0 : i32
    %dma_start3A_67 = tpu.memref_slice %arg4[%dma_start3A_65, %dma_start3A_66] : memref<1000001x16xf32, #tpu.memory_space<hbm>> -> memref<1000001x16xf32, #tpu.memory_space<hbm>>
    tpu.enqueue_indirect_dma source(%dma_start3A_67 : memref<1000001x16xf32, #tpu.memory_space<hbm>>) target(%dma_start3A_61 : memref<128x16xf32, #tpu.memory_space<vmem>>) offsets(%dma_start3A_64 : memref<128xi32, #tpu.memory_space<vmem>>) semaphore(%arg19 : memref<!tpu.dma_semaphore, #tpu.memory_space<semaphore_mem>>)
    %dma_start3A_68 = arith.constant 1 : i32
    %dma_start3A_69 = arith.constant 2 : i32
    %dma_start3A_70 = arith.constant 256 : i32
    %dma_start3A_71 = arith.constant 0 : i32
    %dma_start3A_72 = tpu.memref_slice %arg15[%dma_start3A_70, %dma_start3A_71] : memref<512x16xf32, #tpu.memory_space<vmem>> -> memref<128x16xf32, #tpu.memory_space<vmem>>
    %dma_start3A_73 = arith.constant 0 : i32
    %dma_start3A_74 = tpu.memref_slice %arg13[%dma_start3A_68, %dma_start3A_69, %dma_start3A_73] : memref<5x4x128xi32, #tpu.memory_space<vmem>> -> memref<1x1x128xi32, #tpu.memory_space<vmem>>
    %dma_start3A_75 = tpu.memref_squeeze %dma_start3A_74 : memref<1x1x128xi32, #tpu.memory_space<vmem>> -> memref<128xi32, #tpu.memory_space<vmem>>
    %dma_start3A_76 = arith.constant 0 : i32
    %dma_start3A_77 = arith.constant 0 : i32
    %dma_start3A_78 = tpu.memref_slice %arg4[%dma_start3A_76, %dma_start3A_77] : memref<1000001x16xf32, #tpu.memory_space<hbm>> -> memref<1000001x16xf32, #tpu.memory_space<hbm>>
    tpu.enqueue_indirect_dma source(%dma_start3A_78 : memref<1000001x16xf32, #tpu.memory_space<hbm>>) target(%dma_start3A_72 : memref<128x16xf32, #tpu.memory_space<vmem>>) offsets(%dma_start3A_75 : memref<128xi32, #tpu.memory_space<vmem>>) semaphore(%arg19 : memref<!tpu.dma_semaphore, #tpu.memory_space<semaphore_mem>>)
    %dma_start3A_79 = arith.constant 1 : i32
    %dma_start3A_80 = arith.constant 3 : i32
    %dma_start3A_81 = arith.constant 384 : i32
    %dma_start3A_82 = arith.constant 0 : i32
    %dma_start3A_83 = tpu.memref_slice %arg15[%dma_start3A_81, %dma_start3A_82] : memref<512x16xf32, #tpu.memory_space<vmem>> -> memref<128x16xf32, #tpu.memory_space<vmem>>
    %dma_start3A_84 = arith.constant 0 : i32
    %dma_start3A_85 = tpu.memref_slice %arg13[%dma_start3A_79, %dma_start3A_80, %dma_start3A_84] : memref<5x4x128xi32, #tpu.memory_space<vmem>> -> memref<1x1x128xi32, #tpu.memory_space<vmem>>
    %dma_start3A_86 = tpu.memref_squeeze %dma_start3A_85 : memref<1x1x128xi32, #tpu.memory_space<vmem>> -> memref<128xi32, #tpu.memory_space<vmem>>
    %dma_start3A_87 = arith.constant 0 : i32
    %dma_start3A_88 = arith.constant 0 : i32
    %dma_start3A_89 = tpu.memref_slice %arg4[%dma_start3A_87, %dma_start3A_88] : memref<1000001x16xf32, #tpu.memory_space<hbm>> -> memref<1000001x16xf32, #tpu.memory_space<hbm>>
    tpu.enqueue_indirect_dma source(%dma_start3A_89 : memref<1000001x16xf32, #tpu.memory_space<hbm>>) target(%dma_start3A_83 : memref<128x16xf32, #tpu.memory_space<vmem>>) offsets(%dma_start3A_86 : memref<128xi32, #tpu.memory_space<vmem>>) semaphore(%arg19 : memref<!tpu.dma_semaphore, #tpu.memory_space<semaphore_mem>>)
    %dma_start3A_90 = arith.constant 2 : i32
    %dma_start3A_91 = arith.constant 0 : i32
    %dma_start3A_92 = arith.constant 0 : i32
    %dma_start3A_93 = arith.constant 0 : i32
    %dma_start3A_94 = tpu.memref_slice %arg16[%dma_start3A_92, %dma_start3A_93] : memref<512x16xf32, #tpu.memory_space<vmem>> -> memref<128x16xf32, #tpu.memory_space<vmem>>
    %dma_start3A_95 = arith.constant 0 : i32
    %dma_start3A_96 = tpu.memref_slice %arg13[%dma_start3A_90, %dma_start3A_91, %dma_start3A_95] : memref<5x4x128xi32, #tpu.memory_space<vmem>> -> memref<1x1x128xi32, #tpu.memory_space<vmem>>
    %dma_start3A_97 = tpu.memref_squeeze %dma_start3A_96 : memref<1x1x128xi32, #tpu.memory_space<vmem>> -> memref<128xi32, #tpu.memory_space<vmem>>
    %dma_start3A_98 = arith.constant 0 : i32
    %dma_start3A_99 = arith.constant 0 : i32
    %dma_start3A_100 = tpu.memref_slice %arg5[%dma_start3A_98, %dma_start3A_99] : memref<1000001x16xf32, #tpu.memory_space<hbm>> -> memref<1000001x16xf32, #tpu.memory_space<hbm>>
    tpu.enqueue_indirect_dma source(%dma_start3A_100 : memref<1000001x16xf32, #tpu.memory_space<hbm>>) target(%dma_start3A_94 : memref<128x16xf32, #tpu.memory_space<vmem>>) offsets(%dma_start3A_97 : memref<128xi32, #tpu.memory_space<vmem>>) semaphore(%arg19 : memref<!tpu.dma_semaphore, #tpu.memory_space<semaphore_mem>>)
    %dma_start3A_101 = arith.constant 2 : i32
    %dma_start3A_102 = arith.constant 1 : i32
    %dma_start3A_103 = arith.constant 128 : i32
    %dma_start3A_104 = arith.constant 0 : i32
    %dma_start3A_105 = tpu.memref_slice %arg16[%dma_start3A_103, %dma_start3A_104] : memref<512x16xf32, #tpu.memory_space<vmem>> -> memref<128x16xf32, #tpu.memory_space<vmem>>
    %dma_start3A_106 = arith.constant 0 : i32
    %dma_start3A_107 = tpu.memref_slice %arg13[%dma_start3A_101, %dma_start3A_102, %dma_start3A_106] : memref<5x4x128xi32, #tpu.memory_space<vmem>> -> memref<1x1x128xi32, #tpu.memory_space<vmem>>
    %dma_start3A_108 = tpu.memref_squeeze %dma_start3A_107 : memref<1x1x128xi32, #tpu.memory_space<vmem>> -> memref<128xi32, #tpu.memory_space<vmem>>
    %dma_start3A_109 = arith.constant 0 : i32
    %dma_start3A_110 = arith.constant 0 : i32
    %dma_start3A_111 = tpu.memref_slice %arg5[%dma_start3A_109, %dma_start3A_110] : memref<1000001x16xf32, #tpu.memory_space<hbm>> -> memref<1000001x16xf32, #tpu.memory_space<hbm>>
    tpu.enqueue_indirect_dma source(%dma_start3A_111 : memref<1000001x16xf32, #tpu.memory_space<hbm>>) target(%dma_start3A_105 : memref<128x16xf32, #tpu.memory_space<vmem>>) offsets(%dma_start3A_108 : memref<128xi32, #tpu.memory_space<vmem>>) semaphore(%arg19 : memref<!tpu.dma_semaphore, #tpu.memory_space<semaphore_mem>>)
    %dma_start3A_112 = arith.constant 2 : i32
    %dma_start3A_113 = arith.constant 2 : i32
    %dma_start3A_114 = arith.constant 256 : i32
    %dma_start3A_115 = arith.constant 0 : i32
    %dma_start3A_116 = tpu.memref_slice %arg16[%dma_start3A_114, %dma_start3A_115] : memref<512x16xf32, #tpu.memory_space<vmem>> -> memref<128x16xf32, #tpu.memory_space<vmem>>
    %dma_start3A_117 = arith.constant 0 : i32
    %dma_start3A_118 = tpu.memref_slice %arg13[%dma_start3A_112, %dma_start3A_113, %dma_start3A_117] : memref<5x4x128xi32, #tpu.memory_space<vmem>> -> memref<1x1x128xi32, #tpu.memory_space<vmem>>
    %dma_start3A_119 = tpu.memref_squeeze %dma_start3A_118 : memref<1x1x128xi32, #tpu.memory_space<vmem>> -> memref<128xi32, #tpu.memory_space<vmem>>
    %dma_start3A_120 = arith.constant 0 : i32
    %dma_start3A_121 = arith.constant 0 : i32
    %dma_start3A_122 = tpu.memref_slice %arg5[%dma_start3A_120, %dma_start3A_121] : memref<1000001x16xf32, #tpu.memory_space<hbm>> -> memref<1000001x16xf32, #tpu.memory_space<hbm>>
    tpu.enqueue_indirect_dma source(%dma_start3A_122 : memref<1000001x16xf32, #tpu.memory_space<hbm>>) target(%dma_start3A_116 : memref<128x16xf32, #tpu.memory_space<vmem>>) offsets(%dma_start3A_119 : memref<128xi32, #tpu.memory_space<vmem>>) semaphore(%arg19 : memref<!tpu.dma_semaphore, #tpu.memory_space<semaphore_mem>>)
    %dma_start3A_123 = arith.constant 2 : i32
    %dma_start3A_124 = arith.constant 3 : i32
    %dma_start3A_125 = arith.constant 384 : i32
    %dma_start3A_126 = arith.constant 0 : i32
    %dma_start3A_127 = tpu.memref_slice %arg16[%dma_start3A_125, %dma_start3A_126] : memref<512x16xf32, #tpu.memory_space<vmem>> -> memref<128x16xf32, #tpu.memory_space<vmem>>
    %dma_start3A_128 = arith.constant 0 : i32
    %dma_start3A_129 = tpu.memref_slice %arg13[%dma_start3A_123, %dma_start3A_124, %dma_start3A_128] : memref<5x4x128xi32, #tpu.memory_space<vmem>> -> memref<1x1x128xi32, #tpu.memory_space<vmem>>
    %dma_start3A_130 = tpu.memref_squeeze %dma_start3A_129 : memref<1x1x128xi32, #tpu.memory_space<vmem>> -> memref<128xi32, #tpu.memory_space<vmem>>
    %dma_start3A_131 = arith.constant 0 : i32
    %dma_start3A_132 = arith.constant 0 : i32
    %dma_start3A_133 = tpu.memref_slice %arg5[%dma_start3A_131, %dma_start3A_132] : memref<1000001x16xf32, #tpu.memory_space<hbm>> -> memref<1000001x16xf32, #tpu.memory_space<hbm>>
    tpu.enqueue_indirect_dma source(%dma_start3A_133 : memref<1000001x16xf32, #tpu.memory_space<hbm>>) target(%dma_start3A_127 : memref<128x16xf32, #tpu.memory_space<vmem>>) offsets(%dma_start3A_130 : memref<128xi32, #tpu.memory_space<vmem>>) semaphore(%arg19 : memref<!tpu.dma_semaphore, #tpu.memory_space<semaphore_mem>>)
    %dma_start3A_134 = arith.constant 3 : i32
    %dma_start3A_135 = arith.constant 0 : i32
    %dma_start3A_136 = arith.constant 0 : i32
    %dma_start3A_137 = arith.constant 0 : i32
    %dma_start3A_138 = tpu.memref_slice %arg17[%dma_start3A_136, %dma_start3A_137] : memref<512x16xf32, #tpu.memory_space<vmem>> -> memref<128x16xf32, #tpu.memory_space<vmem>>
    %dma_start3A_139 = arith.constant 0 : i32
    %dma_start3A_140 = tpu.memref_slice %arg13[%dma_start3A_134, %dma_start3A_135, %dma_start3A_139] : memref<5x4x128xi32, #tpu.memory_space<vmem>> -> memref<1x1x128xi32, #tpu.memory_space<vmem>>
    %dma_start3A_141 = tpu.memref_squeeze %dma_start3A_140 : memref<1x1x128xi32, #tpu.memory_space<vmem>> -> memref<128xi32, #tpu.memory_space<vmem>>
    %dma_start3A_142 = arith.constant 0 : i32
    %dma_start3A_143 = arith.constant 0 : i32
    %dma_start3A_144 = tpu.memref_slice %arg6[%dma_start3A_142, %dma_start3A_143] : memref<100001x16xf32, #tpu.memory_space<hbm>> -> memref<100001x16xf32, #tpu.memory_space<hbm>>
    tpu.enqueue_indirect_dma source(%dma_start3A_144 : memref<100001x16xf32, #tpu.memory_space<hbm>>) target(%dma_start3A_138 : memref<128x16xf32, #tpu.memory_space<vmem>>) offsets(%dma_start3A_141 : memref<128xi32, #tpu.memory_space<vmem>>) semaphore(%arg19 : memref<!tpu.dma_semaphore, #tpu.memory_space<semaphore_mem>>)
    %dma_start3A_145 = arith.constant 3 : i32
    %dma_start3A_146 = arith.constant 1 : i32
    %dma_start3A_147 = arith.constant 128 : i32
    %dma_start3A_148 = arith.constant 0 : i32
    %dma_start3A_149 = tpu.memref_slice %arg17[%dma_start3A_147, %dma_start3A_148] : memref<512x16xf32, #tpu.memory_space<vmem>> -> memref<128x16xf32, #tpu.memory_space<vmem>>
    %dma_start3A_150 = arith.constant 0 : i32
    %dma_start3A_151 = tpu.memref_slice %arg13[%dma_start3A_145, %dma_start3A_146, %dma_start3A_150] : memref<5x4x128xi32, #tpu.memory_space<vmem>> -> memref<1x1x128xi32, #tpu.memory_space<vmem>>
    %dma_start3A_152 = tpu.memref_squeeze %dma_start3A_151 : memref<1x1x128xi32, #tpu.memory_space<vmem>> -> memref<128xi32, #tpu.memory_space<vmem>>
    %dma_start3A_153 = arith.constant 0 : i32
    %dma_start3A_154 = arith.constant 0 : i32
    %dma_start3A_155 = tpu.memref_slice %arg6[%dma_start3A_153, %dma_start3A_154] : memref<100001x16xf32, #tpu.memory_space<hbm>> -> memref<100001x16xf32, #tpu.memory_space<hbm>>
    tpu.enqueue_indirect_dma source(%dma_start3A_155 : memref<100001x16xf32, #tpu.memory_space<hbm>>) target(%dma_start3A_149 : memref<128x16xf32, #tpu.memory_space<vmem>>) offsets(%dma_start3A_152 : memref<128xi32, #tpu.memory_space<vmem>>) semaphore(%arg19 : memref<!tpu.dma_semaphore, #tpu.memory_space<semaphore_mem>>)
    %dma_start3A_156 = arith.constant 3 : i32
    %dma_start3A_157 = arith.constant 2 : i32
    %dma_start3A_158 = arith.constant 256 : i32
    %dma_start3A_159 = arith.constant 0 : i32
    %dma_start3A_160 = tpu.memref_slice %arg17[%dma_start3A_158, %dma_start3A_159] : memref<512x16xf32, #tpu.memory_space<vmem>> -> memref<128x16xf32, #tpu.memory_space<vmem>>
    %dma_start3A_161 = arith.constant 0 : i32
    %dma_start3A_162 = tpu.memref_slice %arg13[%dma_start3A_156, %dma_start3A_157, %dma_start3A_161] : memref<5x4x128xi32, #tpu.memory_space<vmem>> -> memref<1x1x128xi32, #tpu.memory_space<vmem>>
    %dma_start3A_163 = tpu.memref_squeeze %dma_start3A_162 : memref<1x1x128xi32, #tpu.memory_space<vmem>> -> memref<128xi32, #tpu.memory_space<vmem>>
    %dma_start3A_164 = arith.constant 0 : i32
    %dma_start3A_165 = arith.constant 0 : i32
    %dma_start3A_166 = tpu.memref_slice %arg6[%dma_start3A_164, %dma_start3A_165] : memref<100001x16xf32, #tpu.memory_space<hbm>> -> memref<100001x16xf32, #tpu.memory_space<hbm>>
    tpu.enqueue_indirect_dma source(%dma_start3A_166 : memref<100001x16xf32, #tpu.memory_space<hbm>>) target(%dma_start3A_160 : memref<128x16xf32, #tpu.memory_space<vmem>>) offsets(%dma_start3A_163 : memref<128xi32, #tpu.memory_space<vmem>>) semaphore(%arg19 : memref<!tpu.dma_semaphore, #tpu.memory_space<semaphore_mem>>)
    %dma_start3A_167 = arith.constant 3 : i32
    %dma_start3A_168 = arith.constant 3 : i32
    %dma_start3A_169 = arith.constant 384 : i32
    %dma_start3A_170 = arith.constant 0 : i32
    %dma_start3A_171 = tpu.memref_slice %arg17[%dma_start3A_169, %dma_start3A_170] : memref<512x16xf32, #tpu.memory_space<vmem>> -> memref<128x16xf32, #tpu.memory_space<vmem>>
    %dma_start3A_172 = arith.constant 0 : i32
    %dma_start3A_173 = tpu.memref_slice %arg13[%dma_start3A_167, %dma_start3A_168, %dma_start3A_172] : memref<5x4x128xi32, #tpu.memory_space<vmem>> -> memref<1x1x128xi32, #tpu.memory_space<vmem>>
    %dma_start3A_174 = tpu.memref_squeeze %dma_start3A_173 : memref<1x1x128xi32, #tpu.memory_space<vmem>> -> memref<128xi32, #tpu.memory_space<vmem>>
    %dma_start3A_175 = arith.constant 0 : i32
    %dma_start3A_176 = arith.constant 0 : i32
    %dma_start3A_177 = tpu.memref_slice %arg6[%dma_start3A_175, %dma_start3A_176] : memref<100001x16xf32, #tpu.memory_space<hbm>> -> memref<100001x16xf32, #tpu.memory_space<hbm>>
    tpu.enqueue_indirect_dma source(%dma_start3A_177 : memref<100001x16xf32, #tpu.memory_space<hbm>>) target(%dma_start3A_171 : memref<128x16xf32, #tpu.memory_space<vmem>>) offsets(%dma_start3A_174 : memref<128xi32, #tpu.memory_space<vmem>>) semaphore(%arg19 : memref<!tpu.dma_semaphore, #tpu.memory_space<semaphore_mem>>)
    %dma_start3A_178 = arith.constant 4 : i32
    %dma_start3A_179 = arith.constant 0 : i32
    %dma_start3A_180 = arith.constant 0 : i32
    %dma_start3A_181 = arith.constant 0 : i32
    %dma_start3A_182 = tpu.memref_slice %arg18[%dma_start3A_180, %dma_start3A_181] : memref<512x16xf32, #tpu.memory_space<vmem>> -> memref<128x16xf32, #tpu.memory_space<vmem>>
    %dma_start3A_183 = arith.constant 0 : i32
    %dma_start3A_184 = tpu.memref_slice %arg13[%dma_start3A_178, %dma_start3A_179, %dma_start3A_183] : memref<5x4x128xi32, #tpu.memory_space<vmem>> -> memref<1x1x128xi32, #tpu.memory_space<vmem>>
    %dma_start3A_185 = tpu.memref_squeeze %dma_start3A_184 : memref<1x1x128xi32, #tpu.memory_space<vmem>> -> memref<128xi32, #tpu.memory_space<vmem>>
    %dma_start3A_186 = arith.constant 0 : i32
    %dma_start3A_187 = arith.constant 0 : i32
    %dma_start3A_188 = tpu.memref_slice %arg7[%dma_start3A_186, %dma_start3A_187] : memref<100001x16xf32, #tpu.memory_space<hbm>> -> memref<100001x16xf32, #tpu.memory_space<hbm>>
    tpu.enqueue_indirect_dma source(%dma_start3A_188 : memref<100001x16xf32, #tpu.memory_space<hbm>>) target(%dma_start3A_182 : memref<128x16xf32, #tpu.memory_space<vmem>>) offsets(%dma_start3A_185 : memref<128xi32, #tpu.memory_space<vmem>>) semaphore(%arg19 : memref<!tpu.dma_semaphore, #tpu.memory_space<semaphore_mem>>)
    %dma_start3A_189 = arith.constant 4 : i32
    %dma_start3A_190 = arith.constant 1 : i32
    %dma_start3A_191 = arith.constant 128 : i32
    %dma_start3A_192 = arith.constant 0 : i32
    %dma_start3A_193 = tpu.memref_slice %arg18[%dma_start3A_191, %dma_start3A_192] : memref<512x16xf32, #tpu.memory_space<vmem>> -> memref<128x16xf32, #tpu.memory_space<vmem>>
    %dma_start3A_194 = arith.constant 0 : i32
    %dma_start3A_195 = tpu.memref_slice %arg13[%dma_start3A_189, %dma_start3A_190, %dma_start3A_194] : memref<5x4x128xi32, #tpu.memory_space<vmem>> -> memref<1x1x128xi32, #tpu.memory_space<vmem>>
    %dma_start3A_196 = tpu.memref_squeeze %dma_start3A_195 : memref<1x1x128xi32, #tpu.memory_space<vmem>> -> memref<128xi32, #tpu.memory_space<vmem>>
    %dma_start3A_197 = arith.constant 0 : i32
    %dma_start3A_198 = arith.constant 0 : i32
    %dma_start3A_199 = tpu.memref_slice %arg7[%dma_start3A_197, %dma_start3A_198] : memref<100001x16xf32, #tpu.memory_space<hbm>> -> memref<100001x16xf32, #tpu.memory_space<hbm>>
    tpu.enqueue_indirect_dma source(%dma_start3A_199 : memref<100001x16xf32, #tpu.memory_space<hbm>>) target(%dma_start3A_193 : memref<128x16xf32, #tpu.memory_space<vmem>>) offsets(%dma_start3A_196 : memref<128xi32, #tpu.memory_space<vmem>>) semaphore(%arg19 : memref<!tpu.dma_semaphore, #tpu.memory_space<semaphore_mem>>)
    %dma_start3A_200 = arith.constant 4 : i32
    %dma_start3A_201 = arith.constant 2 : i32
    %dma_start3A_202 = arith.constant 256 : i32
    %dma_start3A_203 = arith.constant 0 : i32
    %dma_start3A_204 = tpu.memref_slice %arg18[%dma_start3A_202, %dma_start3A_203] : memref<512x16xf32, #tpu.memory_space<vmem>> -> memref<128x16xf32, #tpu.memory_space<vmem>>
    %dma_start3A_205 = arith.constant 0 : i32
    %dma_start3A_206 = tpu.memref_slice %arg13[%dma_start3A_200, %dma_start3A_201, %dma_start3A_205] : memref<5x4x128xi32, #tpu.memory_space<vmem>> -> memref<1x1x128xi32, #tpu.memory_space<vmem>>
    %dma_start3A_207 = tpu.memref_squeeze %dma_start3A_206 : memref<1x1x128xi32, #tpu.memory_space<vmem>> -> memref<128xi32, #tpu.memory_space<vmem>>
    %dma_start3A_208 = arith.constant 0 : i32
    %dma_start3A_209 = arith.constant 0 : i32
    %dma_start3A_210 = tpu.memref_slice %arg7[%dma_start3A_208, %dma_start3A_209] : memref<100001x16xf32, #tpu.memory_space<hbm>> -> memref<100001x16xf32, #tpu.memory_space<hbm>>
    tpu.enqueue_indirect_dma source(%dma_start3A_210 : memref<100001x16xf32, #tpu.memory_space<hbm>>) target(%dma_start3A_204 : memref<128x16xf32, #tpu.memory_space<vmem>>) offsets(%dma_start3A_207 : memref<128xi32, #tpu.memory_space<vmem>>) semaphore(%arg19 : memref<!tpu.dma_semaphore, #tpu.memory_space<semaphore_mem>>)
    %dma_start3A_211 = arith.constant 4 : i32
    %dma_start3A_212 = arith.constant 3 : i32
    %dma_start3A_213 = arith.constant 384 : i32
    %dma_start3A_214 = arith.constant 0 : i32
    %dma_start3A_215 = tpu.memref_slice %arg18[%dma_start3A_213, %dma_start3A_214] : memref<512x16xf32, #tpu.memory_space<vmem>> -> memref<128x16xf32, #tpu.memory_space<vmem>>
    %dma_start3A_216 = arith.constant 0 : i32
    %dma_start3A_217 = tpu.memref_slice %arg13[%dma_start3A_211, %dma_start3A_212, %dma_start3A_216] : memref<5x4x128xi32, #tpu.memory_space<vmem>> -> memref<1x1x128xi32, #tpu.memory_space<vmem>>
    %dma_start3A_218 = tpu.memref_squeeze %dma_start3A_217 : memref<1x1x128xi32, #tpu.memory_space<vmem>> -> memref<128xi32, #tpu.memory_space<vmem>>
    %dma_start3A_219 = arith.constant 0 : i32
    %dma_start3A_220 = arith.constant 0 : i32
    %dma_start3A_221 = tpu.memref_slice %arg7[%dma_start3A_219, %dma_start3A_220] : memref<100001x16xf32, #tpu.memory_space<hbm>> -> memref<100001x16xf32, #tpu.memory_space<hbm>>
    tpu.enqueue_indirect_dma source(%dma_start3A_221 : memref<100001x16xf32, #tpu.memory_space<hbm>>) target(%dma_start3A_215 : memref<128x16xf32, #tpu.memory_space<vmem>>) offsets(%dma_start3A_218 : memref<128xi32, #tpu.memory_space<vmem>>) semaphore(%arg19 : memref<!tpu.dma_semaphore, #tpu.memory_space<semaphore_mem>>)
    %dma_wait3A = arith.constant 0 : i32
    %dma_wait3A_222 = arith.constant 0 : i32
    %dma_wait3A_223 = arith.constant 0 : i32
    %dma_wait3A_224 = arith.constant 0 : i32
    %dma_wait3A_225 = tpu.memref_slice %arg14[%dma_wait3A_223, %dma_wait3A_224] : memref<512x16xf32, #tpu.memory_space<vmem>> -> memref<128x16xf32, #tpu.memory_space<vmem>>
    %dma_wait3A_226 = arith.constant 0 : i32
    %dma_wait3A_227 = tpu.memref_slice %arg13[%dma_wait3A, %dma_wait3A_222, %dma_wait3A_226] : memref<5x4x128xi32, #tpu.memory_space<vmem>> -> memref<1x1x128xi32, #tpu.memory_space<vmem>>
    %dma_wait3A_228 = tpu.memref_squeeze %dma_wait3A_227 : memref<1x1x128xi32, #tpu.memory_space<vmem>> -> memref<128xi32, #tpu.memory_space<vmem>>
    %dma_wait3A_229 = arith.constant 0 : i32
    %dma_wait3A_230 = arith.constant 0 : i32
    %dma_wait3A_231 = tpu.memref_slice %arg3[%dma_wait3A_229, %dma_wait3A_230] : memref<9x16xf32, #tpu.memory_space<hbm>> -> memref<9x16xf32, #tpu.memory_space<hbm>>
    tpu.wait_indirect_dma semaphore(%arg19 : memref<!tpu.dma_semaphore, #tpu.memory_space<semaphore_mem>>) src(%dma_wait3A_231 : memref<9x16xf32, #tpu.memory_space<hbm>>) dst(%dma_wait3A_225 : memref<128x16xf32, #tpu.memory_space<vmem>>)
    %dma_wait3A_232 = arith.constant 0 : i32
    %dma_wait3A_233 = arith.constant 1 : i32
    %dma_wait3A_234 = arith.constant 128 : i32
    %dma_wait3A_235 = arith.constant 0 : i32
    %dma_wait3A_236 = tpu.memref_slice %arg14[%dma_wait3A_234, %dma_wait3A_235] : memref<512x16xf32, #tpu.memory_space<vmem>> -> memref<128x16xf32, #tpu.memory_space<vmem>>
    %dma_wait3A_237 = arith.constant 0 : i32
    %dma_wait3A_238 = tpu.memref_slice %arg13[%dma_wait3A_232, %dma_wait3A_233, %dma_wait3A_237] : memref<5x4x128xi32, #tpu.memory_space<vmem>> -> memref<1x1x128xi32, #tpu.memory_space<vmem>>
    %dma_wait3A_239 = tpu.memref_squeeze %dma_wait3A_238 : memref<1x1x128xi32, #tpu.memory_space<vmem>> -> memref<128xi32, #tpu.memory_space<vmem>>
    %dma_wait3A_240 = arith.constant 0 : i32
    %dma_wait3A_241 = arith.constant 0 : i32
    %dma_wait3A_242 = tpu.memref_slice %arg3[%dma_wait3A_240, %dma_wait3A_241] : memref<9x16xf32, #tpu.memory_space<hbm>> -> memref<9x16xf32, #tpu.memory_space<hbm>>
    tpu.wait_indirect_dma semaphore(%arg19 : memref<!tpu.dma_semaphore, #tpu.memory_space<semaphore_mem>>) src(%dma_wait3A_242 : memref<9x16xf32, #tpu.memory_space<hbm>>) dst(%dma_wait3A_236 : memref<128x16xf32, #tpu.memory_space<vmem>>)
    %dma_wait3A_243 = arith.constant 0 : i32
    %dma_wait3A_244 = arith.constant 2 : i32
    %dma_wait3A_245 = arith.constant 256 : i32
    %dma_wait3A_246 = arith.constant 0 : i32
    %dma_wait3A_247 = tpu.memref_slice %arg14[%dma_wait3A_245, %dma_wait3A_246] : memref<512x16xf32, #tpu.memory_space<vmem>> -> memref<128x16xf32, #tpu.memory_space<vmem>>
    %dma_wait3A_248 = arith.constant 0 : i32
    %dma_wait3A_249 = tpu.memref_slice %arg13[%dma_wait3A_243, %dma_wait3A_244, %dma_wait3A_248] : memref<5x4x128xi32, #tpu.memory_space<vmem>> -> memref<1x1x128xi32, #tpu.memory_space<vmem>>
    %dma_wait3A_250 = tpu.memref_squeeze %dma_wait3A_249 : memref<1x1x128xi32, #tpu.memory_space<vmem>> -> memref<128xi32, #tpu.memory_space<vmem>>
    %dma_wait3A_251 = arith.constant 0 : i32
    %dma_wait3A_252 = arith.constant 0 : i32
    %dma_wait3A_253 = tpu.memref_slice %arg3[%dma_wait3A_251, %dma_wait3A_252] : memref<9x16xf32, #tpu.memory_space<hbm>> -> memref<9x16xf32, #tpu.memory_space<hbm>>
    tpu.wait_indirect_dma semaphore(%arg19 : memref<!tpu.dma_semaphore, #tpu.memory_space<semaphore_mem>>) src(%dma_wait3A_253 : memref<9x16xf32, #tpu.memory_space<hbm>>) dst(%dma_wait3A_247 : memref<128x16xf32, #tpu.memory_space<vmem>>)
    %dma_wait3A_254 = arith.constant 0 : i32
    %dma_wait3A_255 = arith.constant 3 : i32
    %dma_wait3A_256 = arith.constant 384 : i32
    %dma_wait3A_257 = arith.constant 0 : i32
    %dma_wait3A_258 = tpu.memref_slice %arg14[%dma_wait3A_256, %dma_wait3A_257] : memref<512x16xf32, #tpu.memory_space<vmem>> -> memref<128x16xf32, #tpu.memory_space<vmem>>
    %dma_wait3A_259 = arith.constant 0 : i32
    %dma_wait3A_260 = tpu.memref_slice %arg13[%dma_wait3A_254, %dma_wait3A_255, %dma_wait3A_259] : memref<5x4x128xi32, #tpu.memory_space<vmem>> -> memref<1x1x128xi32, #tpu.memory_space<vmem>>
    %dma_wait3A_261 = tpu.memref_squeeze %dma_wait3A_260 : memref<1x1x128xi32, #tpu.memory_space<vmem>> -> memref<128xi32, #tpu.memory_space<vmem>>
    %dma_wait3A_262 = arith.constant 0 : i32
    %dma_wait3A_263 = arith.constant 0 : i32
    %dma_wait3A_264 = tpu.memref_slice %arg3[%dma_wait3A_262, %dma_wait3A_263] : memref<9x16xf32, #tpu.memory_space<hbm>> -> memref<9x16xf32, #tpu.memory_space<hbm>>
    tpu.wait_indirect_dma semaphore(%arg19 : memref<!tpu.dma_semaphore, #tpu.memory_space<semaphore_mem>>) src(%dma_wait3A_264 : memref<9x16xf32, #tpu.memory_space<hbm>>) dst(%dma_wait3A_258 : memref<128x16xf32, #tpu.memory_space<vmem>>)
    %dma_wait3A_265 = arith.constant 1 : i32
    %dma_wait3A_266 = arith.constant 0 : i32
    %dma_wait3A_267 = arith.constant 0 : i32
    %dma_wait3A_268 = arith.constant 0 : i32
    %dma_wait3A_269 = tpu.memref_slice %arg15[%dma_wait3A_267, %dma_wait3A_268] : memref<512x16xf32, #tpu.memory_space<vmem>> -> memref<128x16xf32, #tpu.memory_space<vmem>>
    %dma_wait3A_270 = arith.constant 0 : i32
    %dma_wait3A_271 = tpu.memref_slice %arg13[%dma_wait3A_265, %dma_wait3A_266, %dma_wait3A_270] : memref<5x4x128xi32, #tpu.memory_space<vmem>> -> memref<1x1x128xi32, #tpu.memory_space<vmem>>
    %dma_wait3A_272 = tpu.memref_squeeze %dma_wait3A_271 : memref<1x1x128xi32, #tpu.memory_space<vmem>> -> memref<128xi32, #tpu.memory_space<vmem>>
    %dma_wait3A_273 = arith.constant 0 : i32
    %dma_wait3A_274 = arith.constant 0 : i32
    %dma_wait3A_275 = tpu.memref_slice %arg4[%dma_wait3A_273, %dma_wait3A_274] : memref<1000001x16xf32, #tpu.memory_space<hbm>> -> memref<1000001x16xf32, #tpu.memory_space<hbm>>
    tpu.wait_indirect_dma semaphore(%arg19 : memref<!tpu.dma_semaphore, #tpu.memory_space<semaphore_mem>>) src(%dma_wait3A_275 : memref<1000001x16xf32, #tpu.memory_space<hbm>>) dst(%dma_wait3A_269 : memref<128x16xf32, #tpu.memory_space<vmem>>)
    %dma_wait3A_276 = arith.constant 1 : i32
    %dma_wait3A_277 = arith.constant 1 : i32
    %dma_wait3A_278 = arith.constant 128 : i32
    %dma_wait3A_279 = arith.constant 0 : i32
    %dma_wait3A_280 = tpu.memref_slice %arg15[%dma_wait3A_278, %dma_wait3A_279] : memref<512x16xf32, #tpu.memory_space<vmem>> -> memref<128x16xf32, #tpu.memory_space<vmem>>
    %dma_wait3A_281 = arith.constant 0 : i32
    %dma_wait3A_282 = tpu.memref_slice %arg13[%dma_wait3A_276, %dma_wait3A_277, %dma_wait3A_281] : memref<5x4x128xi32, #tpu.memory_space<vmem>> -> memref<1x1x128xi32, #tpu.memory_space<vmem>>
    %dma_wait3A_283 = tpu.memref_squeeze %dma_wait3A_282 : memref<1x1x128xi32, #tpu.memory_space<vmem>> -> memref<128xi32, #tpu.memory_space<vmem>>
    %dma_wait3A_284 = arith.constant 0 : i32
    %dma_wait3A_285 = arith.constant 0 : i32
    %dma_wait3A_286 = tpu.memref_slice %arg4[%dma_wait3A_284, %dma_wait3A_285] : memref<1000001x16xf32, #tpu.memory_space<hbm>> -> memref<1000001x16xf32, #tpu.memory_space<hbm>>
    tpu.wait_indirect_dma semaphore(%arg19 : memref<!tpu.dma_semaphore, #tpu.memory_space<semaphore_mem>>) src(%dma_wait3A_286 : memref<1000001x16xf32, #tpu.memory_space<hbm>>) dst(%dma_wait3A_280 : memref<128x16xf32, #tpu.memory_space<vmem>>)
    %dma_wait3A_287 = arith.constant 1 : i32
    %dma_wait3A_288 = arith.constant 2 : i32
    %dma_wait3A_289 = arith.constant 256 : i32
    %dma_wait3A_290 = arith.constant 0 : i32
    %dma_wait3A_291 = tpu.memref_slice %arg15[%dma_wait3A_289, %dma_wait3A_290] : memref<512x16xf32, #tpu.memory_space<vmem>> -> memref<128x16xf32, #tpu.memory_space<vmem>>
    %dma_wait3A_292 = arith.constant 0 : i32
    %dma_wait3A_293 = tpu.memref_slice %arg13[%dma_wait3A_287, %dma_wait3A_288, %dma_wait3A_292] : memref<5x4x128xi32, #tpu.memory_space<vmem>> -> memref<1x1x128xi32, #tpu.memory_space<vmem>>
    %dma_wait3A_294 = tpu.memref_squeeze %dma_wait3A_293 : memref<1x1x128xi32, #tpu.memory_space<vmem>> -> memref<128xi32, #tpu.memory_space<vmem>>
    %dma_wait3A_295 = arith.constant 0 : i32
    %dma_wait3A_296 = arith.constant 0 : i32
    %dma_wait3A_297 = tpu.memref_slice %arg4[%dma_wait3A_295, %dma_wait3A_296] : memref<1000001x16xf32, #tpu.memory_space<hbm>> -> memref<1000001x16xf32, #tpu.memory_space<hbm>>
    tpu.wait_indirect_dma semaphore(%arg19 : memref<!tpu.dma_semaphore, #tpu.memory_space<semaphore_mem>>) src(%dma_wait3A_297 : memref<1000001x16xf32, #tpu.memory_space<hbm>>) dst(%dma_wait3A_291 : memref<128x16xf32, #tpu.memory_space<vmem>>)
    %dma_wait3A_298 = arith.constant 1 : i32
    %dma_wait3A_299 = arith.constant 3 : i32
    %dma_wait3A_300 = arith.constant 384 : i32
    %dma_wait3A_301 = arith.constant 0 : i32
    %dma_wait3A_302 = tpu.memref_slice %arg15[%dma_wait3A_300, %dma_wait3A_301] : memref<512x16xf32, #tpu.memory_space<vmem>> -> memref<128x16xf32, #tpu.memory_space<vmem>>
    %dma_wait3A_303 = arith.constant 0 : i32
    %dma_wait3A_304 = tpu.memref_slice %arg13[%dma_wait3A_298, %dma_wait3A_299, %dma_wait3A_303] : memref<5x4x128xi32, #tpu.memory_space<vmem>> -> memref<1x1x128xi32, #tpu.memory_space<vmem>>
    %dma_wait3A_305 = tpu.memref_squeeze %dma_wait3A_304 : memref<1x1x128xi32, #tpu.memory_space<vmem>> -> memref<128xi32, #tpu.memory_space<vmem>>
    %dma_wait3A_306 = arith.constant 0 : i32
    %dma_wait3A_307 = arith.constant 0 : i32
    %dma_wait3A_308 = tpu.memref_slice %arg4[%dma_wait3A_306, %dma_wait3A_307] : memref<1000001x16xf32, #tpu.memory_space<hbm>> -> memref<1000001x16xf32, #tpu.memory_space<hbm>>
    tpu.wait_indirect_dma semaphore(%arg19 : memref<!tpu.dma_semaphore, #tpu.memory_space<semaphore_mem>>) src(%dma_wait3A_308 : memref<1000001x16xf32, #tpu.memory_space<hbm>>) dst(%dma_wait3A_302 : memref<128x16xf32, #tpu.memory_space<vmem>>)
    %dma_wait3A_309 = arith.constant 2 : i32
    %dma_wait3A_310 = arith.constant 0 : i32
    %dma_wait3A_311 = arith.constant 0 : i32
    %dma_wait3A_312 = arith.constant 0 : i32
    %dma_wait3A_313 = tpu.memref_slice %arg16[%dma_wait3A_311, %dma_wait3A_312] : memref<512x16xf32, #tpu.memory_space<vmem>> -> memref<128x16xf32, #tpu.memory_space<vmem>>
    %dma_wait3A_314 = arith.constant 0 : i32
    %dma_wait3A_315 = tpu.memref_slice %arg13[%dma_wait3A_309, %dma_wait3A_310, %dma_wait3A_314] : memref<5x4x128xi32, #tpu.memory_space<vmem>> -> memref<1x1x128xi32, #tpu.memory_space<vmem>>
    %dma_wait3A_316 = tpu.memref_squeeze %dma_wait3A_315 : memref<1x1x128xi32, #tpu.memory_space<vmem>> -> memref<128xi32, #tpu.memory_space<vmem>>
    %dma_wait3A_317 = arith.constant 0 : i32
    %dma_wait3A_318 = arith.constant 0 : i32
    %dma_wait3A_319 = tpu.memref_slice %arg5[%dma_wait3A_317, %dma_wait3A_318] : memref<1000001x16xf32, #tpu.memory_space<hbm>> -> memref<1000001x16xf32, #tpu.memory_space<hbm>>
    tpu.wait_indirect_dma semaphore(%arg19 : memref<!tpu.dma_semaphore, #tpu.memory_space<semaphore_mem>>) src(%dma_wait3A_319 : memref<1000001x16xf32, #tpu.memory_space<hbm>>) dst(%dma_wait3A_313 : memref<128x16xf32, #tpu.memory_space<vmem>>)
    %dma_wait3A_320 = arith.constant 2 : i32
    %dma_wait3A_321 = arith.constant 1 : i32
    %dma_wait3A_322 = arith.constant 128 : i32
    %dma_wait3A_323 = arith.constant 0 : i32
    %dma_wait3A_324 = tpu.memref_slice %arg16[%dma_wait3A_322, %dma_wait3A_323] : memref<512x16xf32, #tpu.memory_space<vmem>> -> memref<128x16xf32, #tpu.memory_space<vmem>>
    %dma_wait3A_325 = arith.constant 0 : i32
    %dma_wait3A_326 = tpu.memref_slice %arg13[%dma_wait3A_320, %dma_wait3A_321, %dma_wait3A_325] : memref<5x4x128xi32, #tpu.memory_space<vmem>> -> memref<1x1x128xi32, #tpu.memory_space<vmem>>
    %dma_wait3A_327 = tpu.memref_squeeze %dma_wait3A_326 : memref<1x1x128xi32, #tpu.memory_space<vmem>> -> memref<128xi32, #tpu.memory_space<vmem>>
    %dma_wait3A_328 = arith.constant 0 : i32
    %dma_wait3A_329 = arith.constant 0 : i32
    %dma_wait3A_330 = tpu.memref_slice %arg5[%dma_wait3A_328, %dma_wait3A_329] : memref<1000001x16xf32, #tpu.memory_space<hbm>> -> memref<1000001x16xf32, #tpu.memory_space<hbm>>
    tpu.wait_indirect_dma semaphore(%arg19 : memref<!tpu.dma_semaphore, #tpu.memory_space<semaphore_mem>>) src(%dma_wait3A_330 : memref<1000001x16xf32, #tpu.memory_space<hbm>>) dst(%dma_wait3A_324 : memref<128x16xf32, #tpu.memory_space<vmem>>)
    %dma_wait3A_331 = arith.constant 2 : i32
    %dma_wait3A_332 = arith.constant 2 : i32
    %dma_wait3A_333 = arith.constant 256 : i32
    %dma_wait3A_334 = arith.constant 0 : i32
    %dma_wait3A_335 = tpu.memref_slice %arg16[%dma_wait3A_333, %dma_wait3A_334] : memref<512x16xf32, #tpu.memory_space<vmem>> -> memref<128x16xf32, #tpu.memory_space<vmem>>
    %dma_wait3A_336 = arith.constant 0 : i32
    %dma_wait3A_337 = tpu.memref_slice %arg13[%dma_wait3A_331, %dma_wait3A_332, %dma_wait3A_336] : memref<5x4x128xi32, #tpu.memory_space<vmem>> -> memref<1x1x128xi32, #tpu.memory_space<vmem>>
    %dma_wait3A_338 = tpu.memref_squeeze %dma_wait3A_337 : memref<1x1x128xi32, #tpu.memory_space<vmem>> -> memref<128xi32, #tpu.memory_space<vmem>>
    %dma_wait3A_339 = arith.constant 0 : i32
    %dma_wait3A_340 = arith.constant 0 : i32
    %dma_wait3A_341 = tpu.memref_slice %arg5[%dma_wait3A_339, %dma_wait3A_340] : memref<1000001x16xf32, #tpu.memory_space<hbm>> -> memref<1000001x16xf32, #tpu.memory_space<hbm>>
    tpu.wait_indirect_dma semaphore(%arg19 : memref<!tpu.dma_semaphore, #tpu.memory_space<semaphore_mem>>) src(%dma_wait3A_341 : memref<1000001x16xf32, #tpu.memory_space<hbm>>) dst(%dma_wait3A_335 : memref<128x16xf32, #tpu.memory_space<vmem>>)
    %dma_wait3A_342 = arith.constant 2 : i32
    %dma_wait3A_343 = arith.constant 3 : i32
    %dma_wait3A_344 = arith.constant 384 : i32
    %dma_wait3A_345 = arith.constant 0 : i32
    %dma_wait3A_346 = tpu.memref_slice %arg16[%dma_wait3A_344, %dma_wait3A_345] : memref<512x16xf32, #tpu.memory_space<vmem>> -> memref<128x16xf32, #tpu.memory_space<vmem>>
    %dma_wait3A_347 = arith.constant 0 : i32
    %dma_wait3A_348 = tpu.memref_slice %arg13[%dma_wait3A_342, %dma_wait3A_343, %dma_wait3A_347] : memref<5x4x128xi32, #tpu.memory_space<vmem>> -> memref<1x1x128xi32, #tpu.memory_space<vmem>>
    %dma_wait3A_349 = tpu.memref_squeeze %dma_wait3A_348 : memref<1x1x128xi32, #tpu.memory_space<vmem>> -> memref<128xi32, #tpu.memory_space<vmem>>
    %dma_wait3A_350 = arith.constant 0 : i32
    %dma_wait3A_351 = arith.constant 0 : i32
    %dma_wait3A_352 = tpu.memref_slice %arg5[%dma_wait3A_350, %dma_wait3A_351] : memref<1000001x16xf32, #tpu.memory_space<hbm>> -> memref<1000001x16xf32, #tpu.memory_space<hbm>>
    tpu.wait_indirect_dma semaphore(%arg19 : memref<!tpu.dma_semaphore, #tpu.memory_space<semaphore_mem>>) src(%dma_wait3A_352 : memref<1000001x16xf32, #tpu.memory_space<hbm>>) dst(%dma_wait3A_346 : memref<128x16xf32, #tpu.memory_space<vmem>>)
    %dma_wait3A_353 = arith.constant 3 : i32
    %dma_wait3A_354 = arith.constant 0 : i32
    %dma_wait3A_355 = arith.constant 0 : i32
    %dma_wait3A_356 = arith.constant 0 : i32
    %dma_wait3A_357 = tpu.memref_slice %arg17[%dma_wait3A_355, %dma_wait3A_356] : memref<512x16xf32, #tpu.memory_space<vmem>> -> memref<128x16xf32, #tpu.memory_space<vmem>>
    %dma_wait3A_358 = arith.constant 0 : i32
    %dma_wait3A_359 = tpu.memref_slice %arg13[%dma_wait3A_353, %dma_wait3A_354, %dma_wait3A_358] : memref<5x4x128xi32, #tpu.memory_space<vmem>> -> memref<1x1x128xi32, #tpu.memory_space<vmem>>
    %dma_wait3A_360 = tpu.memref_squeeze %dma_wait3A_359 : memref<1x1x128xi32, #tpu.memory_space<vmem>> -> memref<128xi32, #tpu.memory_space<vmem>>
    %dma_wait3A_361 = arith.constant 0 : i32
    %dma_wait3A_362 = arith.constant 0 : i32
    %dma_wait3A_363 = tpu.memref_slice %arg6[%dma_wait3A_361, %dma_wait3A_362] : memref<100001x16xf32, #tpu.memory_space<hbm>> -> memref<100001x16xf32, #tpu.memory_space<hbm>>
    tpu.wait_indirect_dma semaphore(%arg19 : memref<!tpu.dma_semaphore, #tpu.memory_space<semaphore_mem>>) src(%dma_wait3A_363 : memref<100001x16xf32, #tpu.memory_space<hbm>>) dst(%dma_wait3A_357 : memref<128x16xf32, #tpu.memory_space<vmem>>)
    %dma_wait3A_364 = arith.constant 3 : i32
    %dma_wait3A_365 = arith.constant 1 : i32
    %dma_wait3A_366 = arith.constant 128 : i32
    %dma_wait3A_367 = arith.constant 0 : i32
    %dma_wait3A_368 = tpu.memref_slice %arg17[%dma_wait3A_366, %dma_wait3A_367] : memref<512x16xf32, #tpu.memory_space<vmem>> -> memref<128x16xf32, #tpu.memory_space<vmem>>
    %dma_wait3A_369 = arith.constant 0 : i32
    %dma_wait3A_370 = tpu.memref_slice %arg13[%dma_wait3A_364, %dma_wait3A_365, %dma_wait3A_369] : memref<5x4x128xi32, #tpu.memory_space<vmem>> -> memref<1x1x128xi32, #tpu.memory_space<vmem>>
    %dma_wait3A_371 = tpu.memref_squeeze %dma_wait3A_370 : memref<1x1x128xi32, #tpu.memory_space<vmem>> -> memref<128xi32, #tpu.memory_space<vmem>>
    %dma_wait3A_372 = arith.constant 0 : i32
    %dma_wait3A_373 = arith.constant 0 : i32
    %dma_wait3A_374 = tpu.memref_slice %arg6[%dma_wait3A_372, %dma_wait3A_373] : memref<100001x16xf32, #tpu.memory_space<hbm>> -> memref<100001x16xf32, #tpu.memory_space<hbm>>
    tpu.wait_indirect_dma semaphore(%arg19 : memref<!tpu.dma_semaphore, #tpu.memory_space<semaphore_mem>>) src(%dma_wait3A_374 : memref<100001x16xf32, #tpu.memory_space<hbm>>) dst(%dma_wait3A_368 : memref<128x16xf32, #tpu.memory_space<vmem>>)
    %dma_wait3A_375 = arith.constant 3 : i32
    %dma_wait3A_376 = arith.constant 2 : i32
    %dma_wait3A_377 = arith.constant 256 : i32
    %dma_wait3A_378 = arith.constant 0 : i32
    %dma_wait3A_379 = tpu.memref_slice %arg17[%dma_wait3A_377, %dma_wait3A_378] : memref<512x16xf32, #tpu.memory_space<vmem>> -> memref<128x16xf32, #tpu.memory_space<vmem>>
    %dma_wait3A_380 = arith.constant 0 : i32
    %dma_wait3A_381 = tpu.memref_slice %arg13[%dma_wait3A_375, %dma_wait3A_376, %dma_wait3A_380] : memref<5x4x128xi32, #tpu.memory_space<vmem>> -> memref<1x1x128xi32, #tpu.memory_space<vmem>>
    %dma_wait3A_382 = tpu.memref_squeeze %dma_wait3A_381 : memref<1x1x128xi32, #tpu.memory_space<vmem>> -> memref<128xi32, #tpu.memory_space<vmem>>
    %dma_wait3A_383 = arith.constant 0 : i32
    %dma_wait3A_384 = arith.constant 0 : i32
    %dma_wait3A_385 = tpu.memref_slice %arg6[%dma_wait3A_383, %dma_wait3A_384] : memref<100001x16xf32, #tpu.memory_space<hbm>> -> memref<100001x16xf32, #tpu.memory_space<hbm>>
    tpu.wait_indirect_dma semaphore(%arg19 : memref<!tpu.dma_semaphore, #tpu.memory_space<semaphore_mem>>) src(%dma_wait3A_385 : memref<100001x16xf32, #tpu.memory_space<hbm>>) dst(%dma_wait3A_379 : memref<128x16xf32, #tpu.memory_space<vmem>>)
    %dma_wait3A_386 = arith.constant 3 : i32
    %dma_wait3A_387 = arith.constant 3 : i32
    %dma_wait3A_388 = arith.constant 384 : i32
    %dma_wait3A_389 = arith.constant 0 : i32
    %dma_wait3A_390 = tpu.memref_slice %arg17[%dma_wait3A_388, %dma_wait3A_389] : memref<512x16xf32, #tpu.memory_space<vmem>> -> memref<128x16xf32, #tpu.memory_space<vmem>>
    %dma_wait3A_391 = arith.constant 0 : i32
    %dma_wait3A_392 = tpu.memref_slice %arg13[%dma_wait3A_386, %dma_wait3A_387, %dma_wait3A_391] : memref<5x4x128xi32, #tpu.memory_space<vmem>> -> memref<1x1x128xi32, #tpu.memory_space<vmem>>
    %dma_wait3A_393 = tpu.memref_squeeze %dma_wait3A_392 : memref<1x1x128xi32, #tpu.memory_space<vmem>> -> memref<128xi32, #tpu.memory_space<vmem>>
    %dma_wait3A_394 = arith.constant 0 : i32
    %dma_wait3A_395 = arith.constant 0 : i32
    %dma_wait3A_396 = tpu.memref_slice %arg6[%dma_wait3A_394, %dma_wait3A_395] : memref<100001x16xf32, #tpu.memory_space<hbm>> -> memref<100001x16xf32, #tpu.memory_space<hbm>>
    tpu.wait_indirect_dma semaphore(%arg19 : memref<!tpu.dma_semaphore, #tpu.memory_space<semaphore_mem>>) src(%dma_wait3A_396 : memref<100001x16xf32, #tpu.memory_space<hbm>>) dst(%dma_wait3A_390 : memref<128x16xf32, #tpu.memory_space<vmem>>)
    %dma_wait3A_397 = arith.constant 4 : i32
    %dma_wait3A_398 = arith.constant 0 : i32
    %dma_wait3A_399 = arith.constant 0 : i32
    %dma_wait3A_400 = arith.constant 0 : i32
    %dma_wait3A_401 = tpu.memref_slice %arg18[%dma_wait3A_399, %dma_wait3A_400] : memref<512x16xf32, #tpu.memory_space<vmem>> -> memref<128x16xf32, #tpu.memory_space<vmem>>
    %dma_wait3A_402 = arith.constant 0 : i32
    %dma_wait3A_403 = tpu.memref_slice %arg13[%dma_wait3A_397, %dma_wait3A_398, %dma_wait3A_402] : memref<5x4x128xi32, #tpu.memory_space<vmem>> -> memref<1x1x128xi32, #tpu.memory_space<vmem>>
    %dma_wait3A_404 = tpu.memref_squeeze %dma_wait3A_403 : memref<1x1x128xi32, #tpu.memory_space<vmem>> -> memref<128xi32, #tpu.memory_space<vmem>>
    %dma_wait3A_405 = arith.constant 0 : i32
    %dma_wait3A_406 = arith.constant 0 : i32
    %dma_wait3A_407 = tpu.memref_slice %arg7[%dma_wait3A_405, %dma_wait3A_406] : memref<100001x16xf32, #tpu.memory_space<hbm>> -> memref<100001x16xf32, #tpu.memory_space<hbm>>
    tpu.wait_indirect_dma semaphore(%arg19 : memref<!tpu.dma_semaphore, #tpu.memory_space<semaphore_mem>>) src(%dma_wait3A_407 : memref<100001x16xf32, #tpu.memory_space<hbm>>) dst(%dma_wait3A_401 : memref<128x16xf32, #tpu.memory_space<vmem>>)
    %dma_wait3A_408 = arith.constant 4 : i32
    %dma_wait3A_409 = arith.constant 1 : i32
    %dma_wait3A_410 = arith.constant 128 : i32
    %dma_wait3A_411 = arith.constant 0 : i32
    %dma_wait3A_412 = tpu.memref_slice %arg18[%dma_wait3A_410, %dma_wait3A_411] : memref<512x16xf32, #tpu.memory_space<vmem>> -> memref<128x16xf32, #tpu.memory_space<vmem>>
    %dma_wait3A_413 = arith.constant 0 : i32
    %dma_wait3A_414 = tpu.memref_slice %arg13[%dma_wait3A_408, %dma_wait3A_409, %dma_wait3A_413] : memref<5x4x128xi32, #tpu.memory_space<vmem>> -> memref<1x1x128xi32, #tpu.memory_space<vmem>>
    %dma_wait3A_415 = tpu.memref_squeeze %dma_wait3A_414 : memref<1x1x128xi32, #tpu.memory_space<vmem>> -> memref<128xi32, #tpu.memory_space<vmem>>
    %dma_wait3A_416 = arith.constant 0 : i32
    %dma_wait3A_417 = arith.constant 0 : i32
    %dma_wait3A_418 = tpu.memref_slice %arg7[%dma_wait3A_416, %dma_wait3A_417] : memref<100001x16xf32, #tpu.memory_space<hbm>> -> memref<100001x16xf32, #tpu.memory_space<hbm>>
    tpu.wait_indirect_dma semaphore(%arg19 : memref<!tpu.dma_semaphore, #tpu.memory_space<semaphore_mem>>) src(%dma_wait3A_418 : memref<100001x16xf32, #tpu.memory_space<hbm>>) dst(%dma_wait3A_412 : memref<128x16xf32, #tpu.memory_space<vmem>>)
    %dma_wait3A_419 = arith.constant 4 : i32
    %dma_wait3A_420 = arith.constant 2 : i32
    %dma_wait3A_421 = arith.constant 256 : i32
    %dma_wait3A_422 = arith.constant 0 : i32
    %dma_wait3A_423 = tpu.memref_slice %arg18[%dma_wait3A_421, %dma_wait3A_422] : memref<512x16xf32, #tpu.memory_space<vmem>> -> memref<128x16xf32, #tpu.memory_space<vmem>>
    %dma_wait3A_424 = arith.constant 0 : i32
    %dma_wait3A_425 = tpu.memref_slice %arg13[%dma_wait3A_419, %dma_wait3A_420, %dma_wait3A_424] : memref<5x4x128xi32, #tpu.memory_space<vmem>> -> memref<1x1x128xi32, #tpu.memory_space<vmem>>
    %dma_wait3A_426 = tpu.memref_squeeze %dma_wait3A_425 : memref<1x1x128xi32, #tpu.memory_space<vmem>> -> memref<128xi32, #tpu.memory_space<vmem>>
    %dma_wait3A_427 = arith.constant 0 : i32
    %dma_wait3A_428 = arith.constant 0 : i32
    %dma_wait3A_429 = tpu.memref_slice %arg7[%dma_wait3A_427, %dma_wait3A_428] : memref<100001x16xf32, #tpu.memory_space<hbm>> -> memref<100001x16xf32, #tpu.memory_space<hbm>>
    tpu.wait_indirect_dma semaphore(%arg19 : memref<!tpu.dma_semaphore, #tpu.memory_space<semaphore_mem>>) src(%dma_wait3A_429 : memref<100001x16xf32, #tpu.memory_space<hbm>>) dst(%dma_wait3A_423 : memref<128x16xf32, #tpu.memory_space<vmem>>)
    %dma_wait3A_430 = arith.constant 4 : i32
    %dma_wait3A_431 = arith.constant 3 : i32
    %dma_wait3A_432 = arith.constant 384 : i32
    %dma_wait3A_433 = arith.constant 0 : i32
    %dma_wait3A_434 = tpu.memref_slice %arg18[%dma_wait3A_432, %dma_wait3A_433] : memref<512x16xf32, #tpu.memory_space<vmem>> -> memref<128x16xf32, #tpu.memory_space<vmem>>
    %dma_wait3A_435 = arith.constant 0 : i32
    %dma_wait3A_436 = tpu.memref_slice %arg13[%dma_wait3A_430, %dma_wait3A_431, %dma_wait3A_435] : memref<5x4x128xi32, #tpu.memory_space<vmem>> -> memref<1x1x128xi32, #tpu.memory_space<vmem>>
    %dma_wait3A_437 = tpu.memref_squeeze %dma_wait3A_436 : memref<1x1x128xi32, #tpu.memory_space<vmem>> -> memref<128xi32, #tpu.memory_space<vmem>>
    %dma_wait3A_438 = arith.constant 0 : i32
    %dma_wait3A_439 = arith.constant 0 : i32
    %dma_wait3A_440 = tpu.memref_slice %arg7[%dma_wait3A_438, %dma_wait3A_439] : memref<100001x16xf32, #tpu.memory_space<hbm>> -> memref<100001x16xf32, #tpu.memory_space<hbm>>
    tpu.wait_indirect_dma semaphore(%arg19 : memref<!tpu.dma_semaphore, #tpu.memory_space<semaphore_mem>>) src(%dma_wait3A_440 : memref<100001x16xf32, #tpu.memory_space<hbm>>) dst(%dma_wait3A_434 : memref<128x16xf32, #tpu.memory_space<vmem>>)
    "tpu.region"() ({
      %run_scoped3A = tpu.sem_alloc : memref<!tpu.dma_semaphore, #tpu.memory_space<semaphore_mem>>
      %dma_start3A_441 = arith.constant 0 : i32
      %dma_start3A_442 = tpu.memref_slice %arg8[%mul3A_2, %dma_start3A_441] : memref<16384x16xf32, #tpu.memory_space<hbm>> -> memref<512x16xf32, #tpu.memory_space<hbm>>
      %dma_start3A_443 = arith.constant 0 : i32
      %dma_start3A_444 = tpu.memref_slice %arg8[%mul3A_2, %dma_start3A_443] : memref<16384x16xf32, #tpu.memory_space<hbm>> -> memref<512x16xf32, #tpu.memory_space<hbm>>
      tpu.enqueue_dma source(%arg14 : memref<512x16xf32, #tpu.memory_space<vmem>>) target(%dma_start3A_444 : memref<512x16xf32, #tpu.memory_space<hbm>>) target_semaphore(%run_scoped3A : memref<!tpu.dma_semaphore, #tpu.memory_space<semaphore_mem>>)
      %dma_wait3A_445 = arith.constant 0 : i32
      %dma_wait3A_446 = tpu.memref_slice %arg8[%mul3A_2, %dma_wait3A_445] : memref<16384x16xf32, #tpu.memory_space<hbm>> -> memref<512x16xf32, #tpu.memory_space<hbm>>
      %dma_wait3A_447 = arith.constant 0 : i32
      %dma_wait3A_448 = tpu.memref_slice %arg8[%mul3A_2, %dma_wait3A_447] : memref<16384x16xf32, #tpu.memory_space<hbm>> -> memref<512x16xf32, #tpu.memory_space<hbm>>
      tpu.wait_dma2 semaphore(%run_scoped3A : memref<!tpu.dma_semaphore, #tpu.memory_space<semaphore_mem>>) src(%arg14 : memref<512x16xf32, #tpu.memory_space<vmem>>) dst(%dma_wait3A_448 : memref<512x16xf32, #tpu.memory_space<hbm>>)
      tpu.yield
    }) : () -> ()
    "tpu.region"() ({
      %run_scoped3A = tpu.sem_alloc : memref<!tpu.dma_semaphore, #tpu.memory_space<semaphore_mem>>
      %dma_start3A_441 = arith.constant 0 : i32
      %dma_start3A_442 = tpu.memref_slice %arg9[%mul3A_2, %dma_start3A_441] : memref<16384x16xf32, #tpu.memory_space<hbm>> -> memref<512x16xf32, #tpu.memory_space<hbm>>
      %dma_start3A_443 = arith.constant 0 : i32
      %dma_start3A_444 = tpu.memref_slice %arg9[%mul3A_2, %dma_start3A_443] : memref<16384x16xf32, #tpu.memory_space<hbm>> -> memref<512x16xf32, #tpu.memory_space<hbm>>
      tpu.enqueue_dma source(%arg15 : memref<512x16xf32, #tpu.memory_space<vmem>>) target(%dma_start3A_444 : memref<512x16xf32, #tpu.memory_space<hbm>>) target_semaphore(%run_scoped3A : memref<!tpu.dma_semaphore, #tpu.memory_space<semaphore_mem>>)
      %dma_wait3A_445 = arith.constant 0 : i32
      %dma_wait3A_446 = tpu.memref_slice %arg9[%mul3A_2, %dma_wait3A_445] : memref<16384x16xf32, #tpu.memory_space<hbm>> -> memref<512x16xf32, #tpu.memory_space<hbm>>
      %dma_wait3A_447 = arith.constant 0 : i32
      %dma_wait3A_448 = tpu.memref_slice %arg9[%mul3A_2, %dma_wait3A_447] : memref<16384x16xf32, #tpu.memory_space<hbm>> -> memref<512x16xf32, #tpu.memory_space<hbm>>
      tpu.wait_dma2 semaphore(%run_scoped3A : memref<!tpu.dma_semaphore, #tpu.memory_space<semaphore_mem>>) src(%arg15 : memref<512x16xf32, #tpu.memory_space<vmem>>) dst(%dma_wait3A_448 : memref<512x16xf32, #tpu.memory_space<hbm>>)
      tpu.yield
    }) : () -> ()
    "tpu.region"() ({
      %run_scoped3A = tpu.sem_alloc : memref<!tpu.dma_semaphore, #tpu.memory_space<semaphore_mem>>
      %dma_start3A_441 = arith.constant 0 : i32
      %dma_start3A_442 = tpu.memref_slice %arg10[%mul3A_2, %dma_start3A_441] : memref<16384x16xf32, #tpu.memory_space<hbm>> -> memref<512x16xf32, #tpu.memory_space<hbm>>
      %dma_start3A_443 = arith.constant 0 : i32
      %dma_start3A_444 = tpu.memref_slice %arg10[%mul3A_2, %dma_start3A_443] : memref<16384x16xf32, #tpu.memory_space<hbm>> -> memref<512x16xf32, #tpu.memory_space<hbm>>
      tpu.enqueue_dma source(%arg16 : memref<512x16xf32, #tpu.memory_space<vmem>>) target(%dma_start3A_444 : memref<512x16xf32, #tpu.memory_space<hbm>>) target_semaphore(%run_scoped3A : memref<!tpu.dma_semaphore, #tpu.memory_space<semaphore_mem>>)
      %dma_wait3A_445 = arith.constant 0 : i32
      %dma_wait3A_446 = tpu.memref_slice %arg10[%mul3A_2, %dma_wait3A_445] : memref<16384x16xf32, #tpu.memory_space<hbm>> -> memref<512x16xf32, #tpu.memory_space<hbm>>
      %dma_wait3A_447 = arith.constant 0 : i32
      %dma_wait3A_448 = tpu.memref_slice %arg10[%mul3A_2, %dma_wait3A_447] : memref<16384x16xf32, #tpu.memory_space<hbm>> -> memref<512x16xf32, #tpu.memory_space<hbm>>
      tpu.wait_dma2 semaphore(%run_scoped3A : memref<!tpu.dma_semaphore, #tpu.memory_space<semaphore_mem>>) src(%arg16 : memref<512x16xf32, #tpu.memory_space<vmem>>) dst(%dma_wait3A_448 : memref<512x16xf32, #tpu.memory_space<hbm>>)
      tpu.yield
    }) : () -> ()
    "tpu.region"() ({
      %run_scoped3A = tpu.sem_alloc : memref<!tpu.dma_semaphore, #tpu.memory_space<semaphore_mem>>
      %dma_start3A_441 = arith.constant 0 : i32
      %dma_start3A_442 = tpu.memref_slice %arg11[%mul3A_2, %dma_start3A_441] : memref<16384x16xf32, #tpu.memory_space<hbm>> -> memref<512x16xf32, #tpu.memory_space<hbm>>
      %dma_start3A_443 = arith.constant 0 : i32
      %dma_start3A_444 = tpu.memref_slice %arg11[%mul3A_2, %dma_start3A_443] : memref<16384x16xf32, #tpu.memory_space<hbm>> -> memref<512x16xf32, #tpu.memory_space<hbm>>
      tpu.enqueue_dma source(%arg17 : memref<512x16xf32, #tpu.memory_space<vmem>>) target(%dma_start3A_444 : memref<512x16xf32, #tpu.memory_space<hbm>>) target_semaphore(%run_scoped3A : memref<!tpu.dma_semaphore, #tpu.memory_space<semaphore_mem>>)
      %dma_wait3A_445 = arith.constant 0 : i32
      %dma_wait3A_446 = tpu.memref_slice %arg11[%mul3A_2, %dma_wait3A_445] : memref<16384x16xf32, #tpu.memory_space<hbm>> -> memref<512x16xf32, #tpu.memory_space<hbm>>
      %dma_wait3A_447 = arith.constant 0 : i32
      %dma_wait3A_448 = tpu.memref_slice %arg11[%mul3A_2, %dma_wait3A_447] : memref<16384x16xf32, #tpu.memory_space<hbm>> -> memref<512x16xf32, #tpu.memory_space<hbm>>
      tpu.wait_dma2 semaphore(%run_scoped3A : memref<!tpu.dma_semaphore, #tpu.memory_space<semaphore_mem>>) src(%arg17 : memref<512x16xf32, #tpu.memory_space<vmem>>) dst(%dma_wait3A_448 : memref<512x16xf32, #tpu.memory_space<hbm>>)
      tpu.yield
    }) : () -> ()
    "tpu.region"() ({
      %run_scoped3A = tpu.sem_alloc : memref<!tpu.dma_semaphore, #tpu.memory_space<semaphore_mem>>
      %dma_start3A_441 = arith.constant 0 : i32
      %dma_start3A_442 = tpu.memref_slice %arg12[%mul3A_2, %dma_start3A_441] : memref<16384x16xf32, #tpu.memory_space<hbm>> -> memref<512x16xf32, #tpu.memory_space<hbm>>
      %dma_start3A_443 = arith.constant 0 : i32
      %dma_start3A_444 = tpu.memref_slice %arg12[%mul3A_2, %dma_start3A_443] : memref<16384x16xf32, #tpu.memory_space<hbm>> -> memref<512x16xf32, #tpu.memory_space<hbm>>
      tpu.enqueue_dma source(%arg18 : memref<512x16xf32, #tpu.memory_space<vmem>>) target(%dma_start3A_444 : memref<512x16xf32, #tpu.memory_space<hbm>>) target_semaphore(%run_scoped3A : memref<!tpu.dma_semaphore, #tpu.memory_space<semaphore_mem>>)
      %dma_wait3A_445 = arith.constant 0 : i32
      %dma_wait3A_446 = tpu.memref_slice %arg12[%mul3A_2, %dma_wait3A_445] : memref<16384x16xf32, #tpu.memory_space<hbm>> -> memref<512x16xf32, #tpu.memory_space<hbm>>
      %dma_wait3A_447 = arith.constant 0 : i32
      %dma_wait3A_448 = tpu.memref_slice %arg12[%mul3A_2, %dma_wait3A_447] : memref<16384x16xf32, #tpu.memory_space<hbm>> -> memref<512x16xf32, #tpu.memory_space<hbm>>
      tpu.wait_dma2 semaphore(%run_scoped3A : memref<!tpu.dma_semaphore, #tpu.memory_space<semaphore_mem>>) src(%arg18 : memref<512x16xf32, #tpu.memory_space<vmem>>) dst(%dma_wait3A_448 : memref<512x16xf32, #tpu.memory_space<hbm>>)
      tpu.yield
    }) : () -> ()
    return
  }
}

module attributes {stable_mosaic.version = 14 : i64} {
  func.func @_ffn_body(%arg0: i32, %arg1: memref<512x16xf32, #tpu.memory_space<vmem>>, %arg2: memref<512x16xf32, #tpu.memory_space<vmem>>, %arg3: memref<512x16xf32, #tpu.memory_space<vmem>>, %arg4: memref<512x16xf32, #tpu.memory_space<vmem>>, %arg5: memref<512x16xf32, #tpu.memory_space<vmem>>, %arg6: memref<512x1xi32, #tpu.memory_space<vmem>>, %arg7: memref<80x640xf32, #tpu.memory_space<vmem>>, %arg8: memref<80x640xf32, #tpu.memory_space<vmem>>, %arg9: memref<1x640xf32, #tpu.memory_space<vmem>>, %arg10: memref<1x640xf32, #tpu.memory_space<vmem>>, %arg11: memref<640x80xf32, #tpu.memory_space<vmem>>, %arg12: memref<640x80xf32, #tpu.memory_space<vmem>>, %arg13: memref<8x80xf32, #tpu.memory_space<vmem>>, %arg14: memref<1x80xf32, #tpu.memory_space<vmem>>, %arg15: memref<1x16xf32, #tpu.memory_space<vmem>>, %arg16: memref<1x1xf32, #tpu.memory_space<vmem>>, %arg17: memref<512x80xf32, #tpu.memory_space<vmem>>) attributes {dimension_semantics = [#tpu.dimension_semantics<parallel>], iteration_bounds = array<i64: 32>, scalar_prefetch = 0 : i64, scratch_operands = 0 : i64, tpu.core_type = #tpu.core_type<tc>, window_params = [{transform_indices = @transform_0, window_bounds = array<i64: 512, 16>}, {transform_indices = @transform_1, window_bounds = array<i64: 512, 16>}, {transform_indices = @transform_2, window_bounds = array<i64: 512, 16>}, {transform_indices = @transform_3, window_bounds = array<i64: 512, 16>}, {transform_indices = @transform_4, window_bounds = array<i64: 512, 16>}, {transform_indices = @transform_5, window_bounds = array<i64: 512, 1>}, {pipeline_mode = #tpu.pipeline_mode<synchronous>, transform_indices = @transform_6, window_bounds = array<i64: 80, 640>}, {pipeline_mode = #tpu.pipeline_mode<synchronous>, transform_indices = @transform_7, window_bounds = array<i64: 80, 640>}, {pipeline_mode = #tpu.pipeline_mode<synchronous>, transform_indices = @transform_8, window_bounds = array<i64: 1, 640>}, {pipeline_mode = #tpu.pipeline_mode<synchronous>, transform_indices = @transform_9, window_bounds = array<i64: 1, 640>}, {pipeline_mode = #tpu.pipeline_mode<synchronous>, transform_indices = @transform_10, window_bounds = array<i64: 640, 80>}, {pipeline_mode = #tpu.pipeline_mode<synchronous>, transform_indices = @transform_11, window_bounds = array<i64: 640, 80>}, {pipeline_mode = #tpu.pipeline_mode<synchronous>, transform_indices = @transform_12, window_bounds = array<i64: 8, 80>}, {pipeline_mode = #tpu.pipeline_mode<synchronous>, transform_indices = @transform_13, window_bounds = array<i64: 1, 80>}, {pipeline_mode = #tpu.pipeline_mode<synchronous>, transform_indices = @transform_14, window_bounds = array<i64: 1, 16>}, {pipeline_mode = #tpu.pipeline_mode<synchronous>, transform_indices = @transform_15, window_bounds = array<i64: 1, 1>}, {transform_indices = @transform_16, window_bounds = array<i64: 512, 80>}]} {
    %get3A = arith.constant 0 : index
    %get3A_0 = arith.constant 0 : index
    %get3A_1 = vector.load %arg1[%get3A, %get3A_0] : memref<512x16xf32, #tpu.memory_space<vmem>>, vector<512x16xf32>
    %max3A = arith.constant 0.000000e+00 : f32
    %max3A_2 = vector.broadcast %max3A : f32 to vector<512x16xf32>
    %max3A_3 = arith.maximumf %get3A_1, %max3A_2 : vector<512x16xf32>
    %get3A_4 = arith.constant 0 : index
    %get3A_5 = arith.constant 0 : index
    %get3A_6 = vector.load %arg2[%get3A_4, %get3A_5] : memref<512x16xf32, #tpu.memory_space<vmem>>, vector<512x16xf32>
    %max3A_7 = arith.constant 0.000000e+00 : f32
    %max3A_8 = vector.broadcast %max3A_7 : f32 to vector<512x16xf32>
    %max3A_9 = arith.maximumf %get3A_6, %max3A_8 : vector<512x16xf32>
    %get3A_10 = arith.constant 0 : index
    %get3A_11 = arith.constant 0 : index
    %get3A_12 = vector.load %arg3[%get3A_10, %get3A_11] : memref<512x16xf32, #tpu.memory_space<vmem>>, vector<512x16xf32>
    %max3A_13 = arith.constant 0.000000e+00 : f32
    %max3A_14 = vector.broadcast %max3A_13 : f32 to vector<512x16xf32>
    %max3A_15 = arith.maximumf %get3A_12, %max3A_14 : vector<512x16xf32>
    %get3A_16 = arith.constant 0 : index
    %get3A_17 = arith.constant 0 : index
    %get3A_18 = vector.load %arg4[%get3A_16, %get3A_17] : memref<512x16xf32, #tpu.memory_space<vmem>>, vector<512x16xf32>
    %max3A_19 = arith.constant 0.000000e+00 : f32
    %max3A_20 = vector.broadcast %max3A_19 : f32 to vector<512x16xf32>
    %max3A_21 = arith.maximumf %get3A_18, %max3A_20 : vector<512x16xf32>
    %get3A_22 = arith.constant 0 : index
    %get3A_23 = arith.constant 0 : index
    %get3A_24 = vector.load %arg5[%get3A_22, %get3A_23] : memref<512x16xf32, #tpu.memory_space<vmem>>, vector<512x16xf32>
    %max3A_25 = arith.constant 0.000000e+00 : f32
    %max3A_26 = vector.broadcast %max3A_25 : f32 to vector<512x16xf32>
    %max3A_27 = arith.maximumf %get3A_24, %max3A_26 : vector<512x16xf32>
    %concatenate3A = tpu.concatenate %max3A_3, %max3A_9, %max3A_15, %max3A_21, %max3A_27 in 1 : vector<512x16xf32>, vector<512x16xf32>, vector<512x16xf32>, vector<512x16xf32>, vector<512x16xf32> -> vector<512x80xf32>
    %get3A_28 = arith.constant 0 : index
    %get3A_29 = arith.constant 0 : index
    %get3A_30 = vector.load %arg6[%get3A_28, %get3A_29] : memref<512x1xi32, #tpu.memory_space<vmem>>, vector<512x1xi32>
    %sub3A = arith.constant 1 : i32
    %sub3A_31 = vector.broadcast %sub3A : i32 to vector<512x1xi32>
    %sub3A_32 = arith.subi %get3A_30, %sub3A_31 : vector<512x1xi32>
    %get3A_33 = arith.constant 0 : index
    %get3A_34 = arith.constant 0 : index
    %get3A_35 = vector.load %arg8[%get3A_33, %get3A_34] : memref<80x640xf32, #tpu.memory_space<vmem>>, vector<80x640xf32>
    %get3A_36 = arith.constant 0 : index
    %get3A_37 = arith.constant 0 : index
    %get3A_38 = vector.load %arg7[%get3A_36, %get3A_37] : memref<80x640xf32, #tpu.memory_space<vmem>>, vector<80x640xf32>
    %mul3A = arith.mulf %get3A_35, %get3A_38 : vector<80x640xf32>
    %get3A_39 = arith.constant 0 : index
    %get3A_40 = arith.constant 0 : index
    %get3A_41 = vector.load %arg10[%get3A_39, %get3A_40] : memref<1x640xf32, #tpu.memory_space<vmem>>, vector<1x640xf32>
    %get3A_42 = arith.constant 0 : index
    %get3A_43 = arith.constant 0 : index
    %get3A_44 = vector.load %arg9[%get3A_42, %get3A_43] : memref<1x640xf32, #tpu.memory_space<vmem>>, vector<1x640xf32>
    %add3A = arith.addf %get3A_41, %get3A_44 : vector<1x640xf32>
    %dot_general3A = arith.constant dense<0.000000e+00> : vector<512x640xf32>
    %dot_general3A_45 = tpu.matmul %concatenate3A, %mul3A, %dot_general3A {dimension_numbers = #tpu.dot_dimension_numbers<[1], [0], [0], [1], [0, 0, 1, 1], [], []>, transpose_lhs_hint = false} : vector<512x80xf32>, vector<80x640xf32>, vector<512x640xf32> -> vector<512x640xf32>
    %add3A_46 = vector.broadcast %add3A : vector<1x640xf32> to vector<512x640xf32>
    %add3A_47 = arith.addf %dot_general3A_45, %add3A_46 : vector<512x640xf32>
    %max3A_48 = arith.constant 0.000000e+00 : f32
    %max3A_49 = vector.broadcast %max3A_48 : f32 to vector<512x640xf32>
    %max3A_50 = arith.maximumf %add3A_47, %max3A_49 : vector<512x640xf32>
    %iota3A = tpu.iota {dimensions = array<i32: 1>} : vector<512x640xi32>
    %jit3A = arith.constant 80 : i32
    %div3A = vector.broadcast %jit3A : i32 to vector<512x640xi32>
    %div3A_51 = arith.divsi %iota3A, %div3A : vector<512x640xi32>
    %sign3A = arith.constant 0 : i32
    %sign3A_52 = vector.broadcast %sign3A : i32 to vector<512x640xi32>
    %sign3A_53 = arith.cmpi sgt, %iota3A, %sign3A_52 : vector<512x640xi32>
    %sign3A_54 = arith.extui %sign3A_53 : vector<512x640xi1> to vector<512x640xi32>
    %sign3A_55 = arith.constant 0 : i32
    %sign3A_56 = vector.broadcast %sign3A_55 : i32 to vector<512x640xi32>
    %sign3A_57 = arith.cmpi slt, %iota3A, %sign3A_56 : vector<512x640xi32>
    %sign3A_58 = arith.extui %sign3A_57 : vector<512x640xi1> to vector<512x640xi32>
    %sign3A_59 = arith.subi %sign3A_54, %sign3A_58 : vector<512x640xi32>
    %sign3A_60 = arith.constant 0 : i32
    %sign3A_61 = arith.cmpi sgt, %jit3A, %sign3A_60 : i32
    %sign3A_62 = arith.extui %sign3A_61 : i1 to i32
    %sign3A_63 = arith.constant 0 : i32
    %sign3A_64 = arith.cmpi slt, %jit3A, %sign3A_63 : i32
    %sign3A_65 = arith.extui %sign3A_64 : i1 to i32
    %sign3A_66 = arith.subi %sign3A_62, %sign3A_65 : i32
    %ne3A = vector.broadcast %sign3A_66 : i32 to vector<512x640xi32>
    %ne3A_67 = arith.cmpi ne, %sign3A_59, %ne3A : vector<512x640xi32>
    %rem3A = vector.broadcast %jit3A : i32 to vector<512x640xi32>
    %rem3A_68 = arith.remsi %iota3A, %rem3A : vector<512x640xi32>
    %ne3A_69 = arith.constant 0 : i32
    %ne3A_70 = vector.broadcast %ne3A_69 : i32 to vector<512x640xi32>
    %ne3A_71 = arith.cmpi ne, %rem3A_68, %ne3A_70 : vector<512x640xi32>
    %and3A = arith.andi %ne3A_67, %ne3A_71 : vector<512x640xi1>
    %sub3A_72 = arith.constant 1 : i32
    %sub3A_73 = vector.broadcast %sub3A_72 : i32 to vector<512x640xi32>
    %sub3A_74 = arith.subi %div3A_51, %sub3A_73 : vector<512x640xi32>
    %select_n3A = arith.select %and3A, %sub3A_74, %div3A_51 : vector<512x640xi1>, vector<512x640xi32>
    %eq3A = vector.broadcast %sub3A_32 : vector<512x1xi32> to vector<512x640xi32>
    %eq3A_75 = arith.cmpi eq, %select_n3A, %eq3A : vector<512x640xi32>
    %jit3A_76 = arith.constant 0.000000e+00 : f32
    %broadcast_in_dim3A = vector.broadcast %jit3A_76 : f32 to vector<512x640xf32>
    %select_n3A_77 = arith.select %eq3A_75, %max3A_50, %broadcast_in_dim3A : vector<512x640xi1>, vector<512x640xf32>
    %get3A_78 = arith.constant 0 : index
    %get3A_79 = arith.constant 0 : index
    %get3A_80 = vector.load %arg12[%get3A_78, %get3A_79] : memref<640x80xf32, #tpu.memory_space<vmem>>, vector<640x80xf32>
    %get3A_81 = arith.constant 0 : index
    %get3A_82 = arith.constant 0 : index
    %get3A_83 = vector.load %arg11[%get3A_81, %get3A_82] : memref<640x80xf32, #tpu.memory_space<vmem>>, vector<640x80xf32>
    %mul3A_84 = arith.mulf %get3A_80, %get3A_83 : vector<640x80xf32>
    %dot_general3A_85 = arith.constant dense<0.000000e+00> : vector<512x80xf32>
    %dot_general3A_86 = tpu.matmul %select_n3A_77, %mul3A_84, %dot_general3A_85 {dimension_numbers = #tpu.dot_dimension_numbers<[1], [0], [0], [1], [0, 0, 1, 1], [], []>, transpose_lhs_hint = false} : vector<512x640xf32>, vector<640x80xf32>, vector<512x80xf32> -> vector<512x80xf32>
    %iota3A_87 = tpu.iota {dimensions = array<i32: 1>} : vector<512x8xi32>
    %eq3A_88 = vector.broadcast %sub3A_32 : vector<512x1xi32> to vector<512x8xi32>
    %eq3A_89 = arith.cmpi eq, %iota3A_87, %eq3A_88 : vector<512x8xi32>
    %convert_element_type3A = arith.extui %eq3A_89 : vector<512x8xi1> to vector<512x8xi32>
    %convert_element_type3A_90 = arith.sitofp %convert_element_type3A : vector<512x8xi32> to vector<512x8xf32>
    %get3A_91 = arith.constant 0 : index
    %get3A_92 = arith.constant 0 : index
    %get3A_93 = vector.load %arg14[%get3A_91, %get3A_92] : memref<1x80xf32, #tpu.memory_space<vmem>>, vector<1x80xf32>
    %get3A_94 = arith.constant 0 : index
    %get3A_95 = arith.constant 0 : index
    %get3A_96 = vector.load %arg13[%get3A_94, %get3A_95] : memref<8x80xf32, #tpu.memory_space<vmem>>, vector<8x80xf32>
    %add3A_97 = vector.broadcast %get3A_93 : vector<1x80xf32> to vector<8x80xf32>
    %add3A_98 = arith.addf %add3A_97, %get3A_96 : vector<8x80xf32>
    %dot_general3A_99 = arith.constant dense<0.000000e+00> : vector<512x80xf32>
    %dot_general3A_100 = tpu.matmul %convert_element_type3A_90, %add3A_98, %dot_general3A_99 {dimension_numbers = #tpu.dot_dimension_numbers<[1], [0], [0], [1], [0, 0, 1, 1], [], []>, transpose_lhs_hint = false} : vector<512x8xf32>, vector<8x80xf32>, vector<512x80xf32> -> vector<512x80xf32>
    %add3A_101 = arith.addf %dot_general3A_86, %dot_general3A_100 : vector<512x80xf32>
    %get3A_102 = arith.constant 0 : index
    %get3A_103 = arith.constant 0 : index
    %get3A_104 = vector.load %arg1[%get3A_102, %get3A_103] : memref<512x16xf32, #tpu.memory_space<vmem>>, vector<512x16xf32>
    %max3A_105 = arith.constant 0.000000e+00 : f32
    %max3A_106 = vector.broadcast %max3A_105 : f32 to vector<512x16xf32>
    %max3A_107 = arith.maximumf %get3A_104, %max3A_106 : vector<512x16xf32>
    %get3A_108 = arith.constant 0 : index
    %get3A_109 = arith.constant 0 : index
    %get3A_110 = vector.load %arg15[%get3A_108, %get3A_109] : memref<1x16xf32, #tpu.memory_space<vmem>>, vector<1x16xf32>
    %mul3A_111 = vector.broadcast %get3A_110 : vector<1x16xf32> to vector<512x16xf32>
    %mul3A_112 = arith.mulf %max3A_107, %mul3A_111 : vector<512x16xf32>
    %reduce_sum3A = arith.constant dense<0.000000e+00> : vector<512xf32>
    %reduce_sum3A_113 = vector.multi_reduction <add>, %mul3A_112, %reduce_sum3A [1] : vector<512x16xf32> to vector<512xf32>
    %broadcast_in_dim3A_114 = vector.shape_cast %reduce_sum3A_113 : vector<512xf32> to vector<512x1xf32>
    %get3A_115 = arith.constant 0 : index
    %get3A_116 = arith.constant 0 : index
    %get3A_117 = vector.load %arg16[%get3A_115, %get3A_116] : memref<1x1xf32, #tpu.memory_space<vmem>>, vector<1x1xf32>
    %add3A_118 = vector.broadcast %get3A_117 : vector<1x1xf32> to vector<512x1xf32>
    %add3A_119 = arith.addf %broadcast_in_dim3A_114, %add3A_118 : vector<512x1xf32>
    %add3A_120 = vector.broadcast %add3A_119 : vector<512x1xf32> to vector<512x80xf32>
    %add3A_121 = arith.addf %add3A_101, %add3A_120 : vector<512x80xf32>
    %swap3A = arith.constant 0 : index
    %swap3A_122 = arith.constant 0 : index
    %swap3A_123 = vector.load %arg17[%swap3A, %swap3A_122] : memref<512x80xf32, #tpu.memory_space<vmem>>, vector<512x80xf32>
    tpu.vector_store %arg17[%swap3A, %swap3A_122], %add3A_121 {strides = array<i32>} : memref<512x80xf32, #tpu.memory_space<vmem>>, vector<512x80xf32>,
    return
  }
  func.func @transform_0(%arg0: i32) -> (i32, i32) {
    %c0_i32 = arith.constant 0 : i32
    %c0_i32_0 = arith.constant 0 : i32
    return %arg0, %c0_i32 : i32, i32
  }
  func.func @transform_1(%arg0: i32) -> (i32, i32) {
    %c0_i32 = arith.constant 0 : i32
    %c0_i32_0 = arith.constant 0 : i32
    return %arg0, %c0_i32 : i32, i32
  }
  func.func @transform_2(%arg0: i32) -> (i32, i32) {
    %c0_i32 = arith.constant 0 : i32
    %c0_i32_0 = arith.constant 0 : i32
    return %arg0, %c0_i32 : i32, i32
  }
  func.func @transform_3(%arg0: i32) -> (i32, i32) {
    %c0_i32 = arith.constant 0 : i32
    %c0_i32_0 = arith.constant 0 : i32
    return %arg0, %c0_i32 : i32, i32
  }
  func.func @transform_4(%arg0: i32) -> (i32, i32) {
    %c0_i32 = arith.constant 0 : i32
    %c0_i32_0 = arith.constant 0 : i32
    return %arg0, %c0_i32 : i32, i32
  }
  func.func @transform_5(%arg0: i32) -> (i32, i32) {
    %c0_i32 = arith.constant 0 : i32
    %c0_i32_0 = arith.constant 0 : i32
    return %arg0, %c0_i32 : i32, i32
  }
  func.func @transform_6(%arg0: i32) -> (i32, i32) {
    %c0_i32 = arith.constant 0 : i32
    %c0_i32_0 = arith.constant 0 : i32
    %c0_i32_1 = arith.constant 0 : i32
    return %c0_i32, %c0_i32_0 : i32, i32
  }
  func.func @transform_7(%arg0: i32) -> (i32, i32) {
    %c0_i32 = arith.constant 0 : i32
    %c0_i32_0 = arith.constant 0 : i32
    %c0_i32_1 = arith.constant 0 : i32
    return %c0_i32, %c0_i32_0 : i32, i32
  }
  func.func @transform_8(%arg0: i32) -> (i32, i32) {
    %c0_i32 = arith.constant 0 : i32
    %c0_i32_0 = arith.constant 0 : i32
    %c0_i32_1 = arith.constant 0 : i32
    return %c0_i32, %c0_i32_0 : i32, i32
  }
  func.func @transform_9(%arg0: i32) -> (i32, i32) {
    %c0_i32 = arith.constant 0 : i32
    %c0_i32_0 = arith.constant 0 : i32
    %c0_i32_1 = arith.constant 0 : i32
    return %c0_i32, %c0_i32_0 : i32, i32
  }
  func.func @transform_10(%arg0: i32) -> (i32, i32) {
    %c0_i32 = arith.constant 0 : i32
    %c0_i32_0 = arith.constant 0 : i32
    %c0_i32_1 = arith.constant 0 : i32
    return %c0_i32, %c0_i32_0 : i32, i32
  }
  func.func @transform_11(%arg0: i32) -> (i32, i32) {
    %c0_i32 = arith.constant 0 : i32
    %c0_i32_0 = arith.constant 0 : i32
    %c0_i32_1 = arith.constant 0 : i32
    return %c0_i32, %c0_i32_0 : i32, i32
  }
  func.func @transform_12(%arg0: i32) -> (i32, i32) {
    %c0_i32 = arith.constant 0 : i32
    %c0_i32_0 = arith.constant 0 : i32
    %c0_i32_1 = arith.constant 0 : i32
    return %c0_i32, %c0_i32_0 : i32, i32
  }
  func.func @transform_13(%arg0: i32) -> (i32, i32) {
    %c0_i32 = arith.constant 0 : i32
    %c0_i32_0 = arith.constant 0 : i32
    %c0_i32_1 = arith.constant 0 : i32
    return %c0_i32, %c0_i32_0 : i32, i32
  }
  func.func @transform_14(%arg0: i32) -> (i32, i32) {
    %c0_i32 = arith.constant 0 : i32
    %c0_i32_0 = arith.constant 0 : i32
    %c0_i32_1 = arith.constant 0 : i32
    return %c0_i32, %c0_i32_0 : i32, i32
  }
  func.func @transform_15(%arg0: i32) -> (i32, i32) {
    %c0_i32 = arith.constant 0 : i32
    %c0_i32_0 = arith.constant 0 : i32
    %c0_i32_1 = arith.constant 0 : i32
    return %c0_i32, %c0_i32_0 : i32, i32
  }
  func.func @transform_16(%arg0: i32) -> (i32, i32) {
    %c0_i32 = arith.constant 0 : i32
    %c0_i32_0 = arith.constant 0 : i32
    return %arg0, %c0_i32 : i32, i32
  }
}

</mosaic_0001>

<sc_bundles>
// kernel: kernel.4.cloned.1.call-start
scs
__scs_entry_jumppad:
0x0: {  	(pc) =	sbr.rel $0x88, $3  }
0x1: {  	(tag) =	ssettag $0x0;
	lr =	simm.s32 $0x1  }
0x2: {  	[smem:$0x3F8D] =	sst lr;
	_ =	strace $0xD0000000  }
0x3: {  	_ = 	snop  }
0x4: {  	_ = 	snop  }
0x5: {  	_ = 	snop  }
0x6: {  	_ = 	snop  }
0x7: {  	_ = 	snop  }
__scs_overlays_trampoline_lowered:
0x8: {  	[smem:$0x3F9C] =	sst s0  }
0x9: {  	[smem:$0x3F9D] =	sst s1  }
0xa: {  	[smem:$0x3F9E] =	sst s2  }
0xb: {  	[smem:$0x3F9F] =	sst s3  }
0xc: {  	[smem:$0x3FA0] =	sst s4  }
0xd: {  	[smem:$0x3FA1] =	sst s5  }
0xe: {  	[smem:$0x3FA2] =	sst s6  }
0xf: {  	[smem:$0x3FA3] =	sst s7  }
0x10: {  	[smem:$0x3FA4] =	sst s8  }
0x11: {  	[smem:$0x3FA5] =	sst s9;
	s0 =	simm.s32 @!p0 $0x0  }
0x12: {  	s1 =	sld [smem:$0x3F8B];
	s0 =	simm.s32 @p0 $0x1  }
0x13: {  	[smem:$0x3FA6] =	sst s0;
	s0 =	simm.s32 @!p1 $0x0  }
0x14: {  	s2 =	sld [smem:$0x3F8A];
	s0 =	simm.s32 @p1 $0x1  }
0x15: {  	[smem:$0x3FA7] =	sst s0;
	s0 =	simm.s32 @!p2 $0x0  }
0x16: {  	s3 =	sld [smem:$0x3FDB];
	s0 =	simm.s32 @p2 $0x1  }
0x17: {  	s4 =	simm.s32 $0x1BF5;
	[smem:$0x3FA9] =	sst s0  }
0x18: {  	s0 =	sld [smem:$0x3F8C];
	_ =	swait.ge [sflag:s4], $0x0  }
0x19: {  	s7 =	sld [smem:$0x3F8D]  }
0x1a: {  	s8 =	sadd.s32 $0xFFFFE003, lr  }
0x1b: {  	s9 =	sadd.s32 $0xFFFFFEF7, lr;
	s5 =	simm.s32 $0xFFFFFFFF;
	p2 =	slt.u32 s8, $0xFFFFF086  }
0x1c: {  	p1 =	slt.u32 s9, $0xF7A;
	s5 =	simm.s32 @!p2 $0x0  }
0x1d: {  	s5 =	simm.s32 @p1 $0x1;
	p0 =	seq.s32 s7, s2  }
0x1e: {  	s7 =	smul.u32 @!p0 $0xF7A, s2;
	p2 =	seq.s32 @!p0 s5, $0x0  }
0x1f: {  	s9 =	smul.u32 $0xF7A, s1;
	s8 =	simm.s32 @!p0 $0x1BF5;
	p2 =	por !p2, p0  }
0x20: {  	[sflag:s8] =	ssyncset.s32 @!p0 $0xFFFFF086;
	s6 =	sadd.s32 @!p0 s3, s7;
	s7 =	simm.s32 @!p0 $0x108  }
0x21: {  	s3 =	sadd.s32 s3, s9;
	s6 =	sadd.s32 @!p0 $0x88, s6;
	s7 =	simm.s32 @p2 $0x1082  }
0x22: {  	[simem:s7], [sflag:s8] =	dma.local @!p0 [hbm:s6], $0xF7A  }
0x23: {  	s9 =	sor.u32 $0xD0000000, s2;
	s6 =	simm.s32 $0x108;
	_ =	swait.ge @!p0 [sflag:s8], $0x0  }
0x24: {  	s3 =	sadd.s32 $0x88, s3;
	s6 =	simm.s32 @!p1 $0x1082;
	[sflag:s4] =	ssyncset.s32 $0xFFFFF086  }
0x25: {  	[simem:s6], [sflag:s4] =	dma.local [hbm:s3], $0xF7A  }
0x26: {  	[smem:$0x3F8D] =	sst s1;
	(tag) =	ssettag s2;
	_ =	strace s9  }
0x27: {  	s1 =	sld [smem:$0x3F9D]  }
0x28: {  	s2 =	sld [smem:$0x3F9E]  }
0x29: {  	s4 =	sld [smem:$0x3FA0]  }
0x2a: {  	p0 =	seq.s32 s5, $0x0;
	s5 =	sld [smem:$0x3FA1]  }
0x2b: {  	s6 =	sld [smem:$0x3FA2]  }
0x2c: {  	s7 =	sld [smem:$0x3FA3]  }
0x2d: {  	s3 =	simm.s32 $0x108;
	s8 =	sld [smem:$0x3FA4]  }
0x2e: {  	s3 =	simm.s32 @!p0 $0x1082;
	s9 =	sld [smem:$0x3FA5]  }
0x2f: {  	lr =	sadd.s32 s0, s3;
	s0 =	sld [smem:$0x3F9C]  }
0x30: {  	s3 =	sld [smem:$0x3F9F]  }
0x31: {  	[smem:$0x3FA8] =	sst s10  }
0x32: {  	s10 =	sld [smem:$0x3FA6];
	_ =	sdelay $0x3  }
0x33: {  	p0 =	seq.s32 s10, $0x1;
	s10 =	sld [smem:$0x3FA8];
	_ =	sdelay $0x3  }
0x34: {  	[smem:$0x3FA8] =	sst s10  }
0x35: {  	s10 =	sld [smem:$0x3FA7];
	_ =	sdelay $0x3  }
0x36: {  	p1 =	seq.s32 s10, $0x1;
	s10 =	sld [smem:$0x3FA8];
	_ =	sdelay $0x3  }
0x37: {  	[smem:$0x3FA8] =	sst s10  }
0x38: {  	s10 =	sld [smem:$0x3FA9]  }
0x39: {  	_ = 	snop;
	(pc) =	sbr.ind lr, $3  }
0x3a: {  	_ = 	snop  }
0x3b: {  	_ = 	snop  }
0x3c: {  	p2 =	seq.s32 s10, $0x1;
	s10 =	sld [smem:$0x3FA8]  }
0x3d: {  	_ =	shalt  }
0x3e: {  	_ =	shalt  }
0x3f: {  	_ =	shalt  }
0x40: {  	_ =	shalt  }
0x41: {  	_ =	shalt  }
0x42: {  	_ =	shalt  }
0x43: {  	_ =	shalt  }
0x44: {  	_ =	shalt  }
0x45: {  	_ =	shalt  }
0x46: {  	_ =	shalt  }
0x47: {  	_ =	shalt  }
0x48: {  	_ =	shalt  }
0x49: {  	_ =	shalt  }
0x4a: {  	_ =	shalt  }
0x4b: {  	_ =	shalt  }
0x4c: {  	_ =	shalt  }
0x4d: {  	_ =	shalt  }
0x4e: {  	_ =	shalt  }
0x4f: {  	_ =	shalt  }
0x50: {  	_ =	shalt  }
0x51: {  	_ =	shalt  }
0x52: {  	_ =	shalt  }
0x53: {  	_ =	shalt  }
0x54: {  	_ =	shalt  }
0x55: {  	_ =	shalt  }
0x56: {  	_ =	shalt  }
0x57: {  	_ =	shalt  }
0x58: {  	_ =	shalt  }
0x59: {  	_ =	shalt  }
0x5a: {  	_ =	shalt  }
0x5b: {  	_ =	shalt  }
0x5c: {  	_ =	shalt  }
0x5d: {  	_ =	shalt  }
0x5e: {  	_ =	shalt  }
0x5f: {  	_ =	shalt  }
0x60: {  	_ =	shalt  }
0x61: {  	_ =	shalt  }
0x62: {  	_ =	shalt  }
0x63: {  	_ =	shalt  }
0x64: {  	_ =	shalt  }
0x65: {  	_ =	shalt  }
0x66: {  	_ =	shalt  }
0x67: {  	_ =	shalt  }
0x68: {  	_ =	shalt  }
0x69: {  	_ =	shalt  }
0x6a: {  	_ =	shalt  }
0x6b: {  	_ =	shalt  }
0x6c: {  	_ =	shalt  }
0x6d: {  	_ =	shalt  }
0x6e: {  	_ =	shalt  }
0x6f: {  	_ =	shalt  }
0x70: {  	_ =	shalt  }
0x71: {  	_ =	shalt  }
0x72: {  	_ =	shalt  }
0x73: {  	_ =	shalt  }
0x74: {  	_ =	shalt  }
0x75: {  	_ =	shalt  }
0x76: {  	_ =	shalt  }
0x77: {  	_ =	shalt  }
0x78: {  	_ =	shalt  }
0x79: {  	_ =	shalt  }
0x7a: {  	_ =	shalt  }
0x7b: {  	_ =	shalt  }
0x7c: {  	_ =	shalt  }
0x7d: {  	_ =	shalt  }
0x7e: {  	_ =	shalt  }
0x7f: {  	_ =	shalt  }
0x80: {  	_ =	shalt  }
0x81: {  	_ =	shalt  }
0x82: {  	_ =	shalt  }
0x83: {  	_ =	shalt  }
0x84: {  	_ =	shalt  }
0x85: {  	_ =	shalt  }
0x86: {  	_ =	shalt  }
0x87: {  	_ =	shalt  }
.Lfunc_end0:
.L_simem_size_0:
called_computation_lowered:
.L_overlay_start_0:
0x88: {  	s2 =	sld [smem:$0x3FD9]  }
0x89: {  	s3 =	sld [smem:$0x3FFE];
	_ =	sdelay $0x1  }
0x8a: {  	s1 =	srdreg.scid  }
0x8b: {  	s0 =	sand.u32 $0x1, s1  }
0x8c: {  	s17 =	sshll.u32 s0, $0xA;
	s2 =	sadd.s32 s3, s2  }
0x8d: {  	s2 =	sadd.s32 s2, s17  }
0x8e: {  	[smem:$0x3FB4] =	sst s2  }
0x8f: {  	_ = 	snop  }
0x90: {  	s2 =	sld [smem:$0x3FD0];
	(tm) =	ssettm $0x1  }
0x91: {  	s18 =	sld [smem:$0x3FFB];
	_ =	sdelay $0x3  }
0x92: {  	_ =	strace s18  }
0x93: {  	s3 =	sld [smem:$0x3FFC];
	_ =	sdelay $0x3  }
0x94: {  	_ =	strace s3  }
0x95: {  	s3 =	sld [smem:$0x3FFD];
	_ =	sdelay $0x3  }
0x96: {  	_ =	strace s3  }
0x97: {  	_ =	strace $0x8FFFFFFF  }
0x98: {  	s19 =	sld [smem:$0x3FDB];
	_ =	sdelay $0x1  }
0x99: {  	s4 =	simm.s32 $_scs_section_size  }
0x9a: {  	s5 =	simm.s32 $_size__tile_overlayer_lowered;
	s6 =	simm.s32 $_tile_overlayer_lowered  }
0x9b: {  	s22 =	simm.s32 $0x1BFF;
	s21 =	sshll.u32 s6, $0x1;
	s3 =	sadd.s32 s4, s19  }
0x9c: {  	s7 =	simm.s32 $0x0;
	s20 =	sshll.u32 s5, $0x1;
	s5 =	sadd.s32 s21, s3  }
0x9d: {  	[timem:s7], [sflag:s22] =	dma.local [hbm:s5], s20  }
0x9e: {  	_ =	swait.ge [sflag:s22], s20  }
0x9f: {  	s4 =	ssub.s32 $0x0, s20;
	[sflag:s22] =	ssyncset.done $0x0  }
0xa0: {  	[sflag:s22] =	ssyncadd.s32 s4;
	_ =	sdelay $0x1  }
0xa1: {  	s23 =	simm.s32 $0x1B8B  }
0xa2: {  	_ =	swait.ge [sflag:s23], $0x1  }
0xa3: {  	[sflag:s23] =	ssyncset.done $0x0  }
0xa4: {  	s25 =	simm.s32 $0x1B8E;
	s24 =	sld [smem:$0x3FFE];
	[sflag:s23] =	ssyncadd.s32 $0xFFFFFFFF  }
0xa5: {  	s26 =	simm.s32 $execute0_lowered;
	[smem:$0x3FD2] =	sst s25  }
0xa6: {  	s5 =	sshll.u32 s26, $0x1;
	_ =	strace $0x80000046;
	[dreg:$0x1] =	wrdreg $0xFFFFFFFF  }
0xa7: {  	s28 =	simm.s32 $_size_execute0_lowered;
	s3 =	sadd.s32 s3, s5;
	[dreg:$0x0] =	wrdreg $0x0  }
0xa8: {  	s5 =	sshll.u32 s28, $0x1;
	[dreg:$0x2] =	wrdreg s3  }
0xa9: {  	[dreg:$0x3] =	wrdreg s5  }
0xaa: {  	[dreg:$0x4] =	wrdreg $0xC0  }
0xab: {  	_ =	task [dreg:s7], $0x5FFFF  }
0xac: {  	[dreg:$0x1] =	wrdreg $0xFFFFFFFF  }
0xad: {  	[dreg:$0x0] =	wrdreg $0x60  }
0xae: {  	[dreg:$0x2] =	wrdreg s24  }
0xaf: {  	[dreg:$0x3] =	wrdreg s2  }
0xb0: {  	[dreg:$0x4] =	wrdreg $0x9  }
0xb1: {  	_ =	task.clear_ibuf [dreg:s7], $0x5FFFF;
	_ =	strace $0x90000046  }
0xb2: {  	s29 =	simm.s32 $0x9;
	_ =	strace $0x80000048  }
0xb3: {  	_ =	swait.ge [sflag:s29], $0x1  }
0xb4: {  	[sflag:s29] =	ssyncadd.s32 $0xFFFFFFFF  }
0xb5: {  	_ =	strace $0x90000048  }
0xb6: {  	_ =	sfence  }
0xb7: {  	s30 =	sld [smem:$0x0];
	_ =	sdelay $0x2  }
0xb8: {  	s31 =	sshll.u32 s1, $0xD;
	s1 =	sshrl.u32 s1, $0x2  }
0xb9: {  	s3 =	sand.u32 $0x4000, s31;
	s1 =	sadd.s32 s1, s30  }
0xba: {  	s0 =	sor.u32 s3, s0;
	s1 =	sshll.u32 s1, $0x11  }
0xbb: {  	s0 =	sor.u32 s1, s0  }
0xbc: {  	s0 =	sadd.s32 $0x8F2B, s0  }
0xbd: {  	[sflag:s0] =	ssyncadd.remote.s32 $0x1  }
0xbe: {  	_ =	sfence.sel $0xFFFF  }
0xbf: {  	[dreg:$0x0] =	wrdreg $0xFFFFFFFF;
	(pc) =	sbr.abs _section_cstart, $3  }
0xc0: {  	[dreg:$0x1] =	wrdreg $0xFFFFFFFF  }
0xc1: {  	_ =	task.clear_ibuf [dreg:s7], $0x2FFFF;
	_ =	strace $0x9FFFFFFF  }
0xc2: {  	(tm) =	ssettm $0x7FFFFFFF  }
0xc3: {  	_ =	shalt  }
tec
execute0_lowered:
.L_overlay_start_1:
0x0: {  	(tag) =	ssettag $0x1  }
0x1: {  	s2 =	stileid.u32;
	s19 =	rddreg [dreg:$0x0]  }
0x2: {  	s3 =	rddreg [dreg:$0x1];
	s24 =	sshll.u32 s2, $0x1;
	s2 =	simm.s32 $0x0  }
0x3: {  	s6 =	simm.s32 $0x100;
	[smem:$0x7FF] =	sst s2  }
0x4: {  	s7 =	simm.s32 $0x1A00;
	_ =	strace $0x80000047;
	[dreg:$0xa] =	wrdreg s6  }
0x5: {  	s8 =	simm.s32 $0x180;
	[dreg:$0xb] =	wrdreg s7  }
0x6: {  	s9 =	simm.s32 $0x2200;
	[dreg:$0xc] =	wrdreg s8  }
0x7: {  	s10 =	simm.s32 $0x200;
	[dreg:$0xd] =	wrdreg s9  }
0x8: {  	s11 =	simm.s32 $0x280;
	[dreg:$0xe] =	wrdreg s10  }
0x9: {  	s12 =	simm.s32 $0x3200;
	[dreg:$0xf] =	wrdreg s11  }
0xa: {  	s13 =	simm.s32 $0x300;
	[dreg:$0x10] =	wrdreg s12  }
0xb: {  	s14 =	simm.s32 $0x3A00;
	[dreg:$0x11] =	wrdreg s13  }
0xc: {  	s15 =	simm.s32 $0x380;
	[dreg:$0x12] =	wrdreg s14  }
0xd: {  	s16 =	simm.s32 $0x4200;
	[dreg:$0x13] =	wrdreg s15  }
0xe: {  	s17 =	simm.s32 $0x400;
	[dreg:$0x14] =	wrdreg s16  }
0xf: {  	s0 =	srdreg.scid;
	s18 =	simm.s32 $0x480;
	[dreg:$0x15] =	wrdreg s17  }
0x10: {  	s20 =	simm.s32 $0x5200;
	s21 =	simm.s32 $0x500;
	[dreg:$0x16] =	wrdreg s18  }
0x11: {  	s22 =	simm.s32 $0x5A00;
	s1 =	sand.u32 $0x1, s0;
	[dreg:$0x17] =	wrdreg s20  }
0x12: {  	s23 =	simm.s32 $0x580;
	s0 =	sor.u32 s1, s24;
	[dreg:$0x18] =	wrdreg s21  }
0x13: {  	s4 =	smul.u32 $0x140, s0;
	s0 =	sshll.u32 s0, $0xA;
	[dreg:$0x19] =	wrdreg s22  }
0x14: {  	[dreg:$0x1a] =	wrdreg s23;
	s5 =	sadd.s32 s0, s19;
	s0 =	sadd.s32 s3, s0  }
0x15: {  	[dreg:$0x4] =	wrdreg s0;
	s25 =	sadd.s32 $0x1DA00, s5  }
0x16: {  	s26 =	sadd.s32 $0x15A00, s5;
	[dreg:$0x5] =	wrdreg s25  }
0x17: {  	s4 =	sadd.s32 s4, s19;
	s3 =	sadd.s32 $0xDA00, s5;
	[dreg:$0x6] =	wrdreg s26  }
0x18: {  	s4 =	sadd.s32 $0x3200, s4;
	[dreg:$0x7] =	wrdreg s3  }
0x19: {  	[dreg:$0x3] =	wrdreg s4;
	s4 =	sadd.s32 $0x5A00, s5  }
0x1a: {  	s5 =	simm.s32 $0x1200;
	[dreg:$0x8] =	wrdreg s4  }
0x1b: {  	[dreg:$0x9] =	wrdreg s5  }
0x1c: {  	s3 =	simm.s32 $0x2;
	s4 =	rddreg [dreg:$0x3]  }
0x1d: {  	[tilespmem:s2], [sflag:$0x2] =	stream.linear.gather [hbm4b:s4+s2], $0xA00, $0x38;
	[tilespmem:$0xAA00] =	vst v63  }
0x1e: {  	_ =	swait.ge [sflag:s3], $0xA00  }
0x1f: {  	s24 =	rddreg [dreg:$0x17]  }
0x20: {  	s9 =	rddreg [dreg:$0x14]  }
0x21: {  	s10 =	rddreg [dreg:$0x12]  }
0x22: {  	s11 =	rddreg [dreg:$0x10]  }
0x23: {  	s6 =	simm.s32 $0xA00;
	s12 =	rddreg [dreg:$0xe]  }
0x24: {  	s5 =	simm.s32 $0x80;
	s7 =	rddreg [dreg:$0xa];
	[sflag:s3] =	ssyncset.done $0x0  }
0x25: {  	s4 =	sadd.s32 $0x3000, s19;
	s8 =	rddreg [dreg:$0x9];
	[sflag:s3] =	ssyncadd.s32 $0xFFFFF600  }
0x26: {  	[tilespmem:s6], [sflag:$0x1] =	stream.indirect.gather [hbm4b:s4+s5], $0x10, s2, s5, $0xb8;
	[tilespmem:$0xAA00] =	vst v63  }
0x27: {  	s13 =	rddreg [dreg:$0xb]  }
0x28: {  	[tilespmem:s8], [sflag:$0x1] =	stream.indirect.gather [hbm4b:s4+s5], $0x10, s5, s5, $0xb8;
	[tilespmem:$0xAA00] =	vst v63  }
0x29: {  	s14 =	rddreg [dreg:$0xd]  }
0x2a: {  	[tilespmem:s13], [sflag:$0x1] =	stream.indirect.gather [hbm4b:s4+s5], $0x10, s7, s5, $0xb8;
	[tilespmem:$0xAA00] =	vst v63  }
0x2b: {  	s25 =	rddreg [dreg:$0xc]  }
0x2c: {  	[tilespmem:s14], [sflag:$0x1] =	stream.indirect.gather [hbm4b:s4+s5], $0x10, s25, s5, $0xb8;
	[tilespmem:$0xAA00] =	vst v63  }
0x2d: {  	s26 =	rddreg [dreg:$0x19];
	s8 =	simm.s32 $0x2A00;
	s7 =	sadd.s32 $0x112DC00, s19  }
0x2e: {  	[tilespmem:s8], [sflag:$0x1] =	stream.indirect.gather [hbm4b:s7+s5], $0x10, s12, s5, $0xb8;
	[tilespmem:$0xAA00] =	vst v63  }
0x2f: {  	s15 =	rddreg [dreg:$0xf]  }
0x30: {  	[tilespmem:s11], [sflag:$0x1] =	stream.indirect.gather [hbm4b:s7+s5], $0x10, s15, s5, $0xb8;
	[tilespmem:$0xAA00] =	vst v63  }
0x31: {  	s16 =	rddreg [dreg:$0x11]  }
0x32: {  	[tilespmem:s10], [sflag:$0x1] =	stream.indirect.gather [hbm4b:s7+s5], $0x10, s16, s5, $0xb8;
	[tilespmem:$0xAA00] =	vst v63  }
0x33: {  	s17 =	rddreg [dreg:$0x13]  }
0x34: {  	[tilespmem:s9], [sflag:$0x1] =	stream.indirect.gather [hbm4b:s7+s5], $0x10, s17, s5, $0xb8;
	[tilespmem:$0xAA00] =	vst v63  }
0x35: {  	s18 =	rddreg [dreg:$0x15];
	s10 =	simm.s32 $0x4A00;
	s9 =	sadd.s32 $0xF45600, s19  }
0x36: {  	[tilespmem:s10], [sflag:$0x1] =	stream.indirect.gather [hbm4b:s9+s5], $0x10, s18, s5, $0xb8;
	[tilespmem:$0xAA00] =	vst v63  }
0x37: {  	s20 =	rddreg [dreg:$0x16]  }
0x38: {  	[tilespmem:s24], [sflag:$0x1] =	stream.indirect.gather [hbm4b:s9+s5], $0x10, s20, s5, $0xb8;
	[tilespmem:$0xAA00] =	vst v63  }
0x39: {  	s21 =	rddreg [dreg:$0x18]  }
0x3a: {  	[tilespmem:s26], [sflag:$0x1] =	stream.indirect.gather [hbm4b:s9+s5], $0x10, s21, s5, $0xb8;
	[tilespmem:$0xAA00] =	vst v63  }
0x3b: {  	s23 =	simm.s32 $0x6200;
	s22 =	rddreg [dreg:$0x1a]  }
0x3c: {  	[tilespmem:s23], [sflag:$0x1] =	stream.indirect.gather [hbm4b:s9+s5], $0x10, s22, s5, $0xb8;
	[tilespmem:$0xAA00] =	vst v63  }
0x3d: {  	s13 =	simm.s32 $0x6A00;
	s12 =	sadd.s32 $0x1BAA00, s19;
	s24 =	simm.s32 $0x600  }
0x3e: {  	[tilespmem:s13], [sflag:$0x1] =	stream.indirect.gather [hbm4b:s12+s5], $0x10, s24, s5, $0xb8;
	[tilespmem:$0xAA00] =	vst v63  }
0x3f: {  	s25 =	simm.s32 $0x680;
	s26 =	simm.s32 $0x7200  }
0x40: {  	[tilespmem:s26], [sflag:$0x1] =	stream.indirect.gather [hbm4b:s12+s5], $0x10, s25, s5, $0xb8;
	[tilespmem:$0xAA00] =	vst v63  }
0x41: {  	s14 =	simm.s32 $0x7A00;
	s11 =	simm.s32 $0x700  }
0x42: {  	[tilespmem:s14], [sflag:$0x1] =	stream.indirect.gather [hbm4b:s12+s5], $0x10, s11, s5, $0xb8;
	[tilespmem:$0xAA00] =	vst v63  }
0x43: {  	s15 =	simm.s32 $0x780;
	s16 =	simm.s32 $0x8200  }
0x44: {  	[tilespmem:s16], [sflag:$0x1] =	stream.indirect.gather [hbm4b:s12+s5], $0x10, s15, s5, $0xb8;
	[tilespmem:$0xAA00] =	vst v63  }
0x45: {  	s22 =	sadd.s32 $0x189C00, s19;
	s23 =	simm.s32 $0x800;
	s19 =	simm.s32 $0x8A00  }
0x46: {  	[tilespmem:s19], [sflag:$0x1] =	stream.indirect.gather [hbm4b:s22+s5], $0x10, s23, s5, $0xb8;
	[tilespmem:$0xAA00] =	vst v63  }
0x47: {  	s24 =	simm.s32 $0x880;
	s25 =	simm.s32 $0x9200  }
0x48: {  	[tilespmem:s25], [sflag:$0x1] =	stream.indirect.gather [hbm4b:s22+s5], $0x10, s24, s5, $0xb8;
	[tilespmem:$0xAA00] =	vst v63  }
0x49: {  	s28 =	simm.s32 $0x9A00;
	s26 =	simm.s32 $0x900  }
0x4a: {  	[tilespmem:s28], [sflag:$0x1] =	stream.indirect.gather [hbm4b:s22+s5], $0x10, s26, s5, $0xb8;
	[tilespmem:$0xAA00] =	vst v63  }
0x4b: {  	s29 =	simm.s32 $0x980;
	s30 =	simm.s32 $0xA200;
	s31 =	simm.s32 $0x1  }
0x4c: {  	[tilespmem:s30], [sflag:$0x1] =	stream.indirect.gather [hbm4b:s22+s5], $0x10, s29, s5, $0xb8;
	[tilespmem:$0xAA00] =	vst v63  }
0x4d: {  	_ =	swait.ge [sflag:s31], $0x800  }
0x4e: {  	[sflag:s31] =	ssyncset.done $0x0  }
0x4f: {  	[sflag:s31] =	ssyncadd.s32 $0xFFFFF800  }
0x50: {  	_ =	swait.ge [sflag:s31], $0x800  }
0x51: {  	[sflag:s31] =	ssyncset.done $0x0  }
0x52: {  	[sflag:s31] =	ssyncadd.s32 $0xFFFFF800  }
0x53: {  	_ =	swait.ge [sflag:s31], $0x800  }
0x54: {  	[sflag:s31] =	ssyncset.done $0x0  }
0x55: {  	[sflag:s31] =	ssyncadd.s32 $0xFFFFF800  }
0x56: {  	_ =	swait.ge [sflag:s31], $0x800  }
0x57: {  	[sflag:s31] =	ssyncset.done $0x0  }
0x58: {  	[sflag:s31] =	ssyncadd.s32 $0xFFFFF800  }
0x59: {  	_ =	swait.ge [sflag:s31], $0x800  }
0x5a: {  	[sflag:s31] =	ssyncset.done $0x0  }
0x5b: {  	[sflag:s31] =	ssyncadd.s32 $0xFFFFF800  }
0x5c: {  	_ =	swait.ge [sflag:s31], $0x800  }
0x5d: {  	[sflag:s31] =	ssyncset.done $0x0  }
0x5e: {  	[sflag:s31] =	ssyncadd.s32 $0xFFFFF800  }
0x5f: {  	_ =	swait.ge [sflag:s31], $0x800  }
0x60: {  	[sflag:s31] =	ssyncset.done $0x0  }
0x61: {  	[sflag:s31] =	ssyncadd.s32 $0xFFFFF800  }
0x62: {  	_ =	swait.ge [sflag:s31], $0x800  }
0x63: {  	[sflag:s31] =	ssyncset.done $0x0  }
0x64: {  	[sflag:s31] =	ssyncadd.s32 $0xFFFFF800  }
0x65: {  	_ =	swait.ge [sflag:s31], $0x800  }
0x66: {  	[sflag:s31] =	ssyncset.done $0x0  }
0x67: {  	[sflag:s31] =	ssyncadd.s32 $0xFFFFF800  }
0x68: {  	_ =	swait.ge [sflag:s31], $0x800  }
0x69: {  	[sflag:s31] =	ssyncset.done $0x0  }
0x6a: {  	[sflag:s31] =	ssyncadd.s32 $0xFFFFF800  }
0x6b: {  	_ =	swait.ge [sflag:s31], $0x800  }
0x6c: {  	[sflag:s31] =	ssyncset.done $0x0  }
0x6d: {  	[sflag:s31] =	ssyncadd.s32 $0xFFFFF800  }
0x6e: {  	_ =	swait.ge [sflag:s31], $0x800  }
0x6f: {  	[sflag:s31] =	ssyncset.done $0x0  }
0x70: {  	[sflag:s31] =	ssyncadd.s32 $0xFFFFF800  }
0x71: {  	_ =	swait.ge [sflag:s31], $0x800  }
0x72: {  	[sflag:s31] =	ssyncset.done $0x0  }
0x73: {  	[sflag:s31] =	ssyncadd.s32 $0xFFFFF800  }
0x74: {  	_ =	swait.ge [sflag:s31], $0x800  }
0x75: {  	[sflag:s31] =	ssyncset.done $0x0  }
0x76: {  	[sflag:s31] =	ssyncadd.s32 $0xFFFFF800  }
0x77: {  	_ =	swait.ge [sflag:s31], $0x800  }
0x78: {  	[sflag:s31] =	ssyncset.done $0x0  }
0x79: {  	[sflag:s31] =	ssyncadd.s32 $0xFFFFF800  }
0x7a: {  	_ =	swait.ge [sflag:s31], $0x800  }
0x7b: {  	[sflag:s31] =	ssyncset.done $0x0  }
0x7c: {  	[sflag:s31] =	ssyncadd.s32 $0xFFFFF800  }
0x7d: {  	_ =	swait.ge [sflag:s31], $0x800  }
0x7e: {  	[sflag:s31] =	ssyncset.done $0x0  }
0x7f: {  	[sflag:s31] =	ssyncadd.s32 $0xFFFFF800  }
0x80: {  	_ =	swait.ge [sflag:s31], $0x800  }
0x81: {  	[sflag:s31] =	ssyncset.done $0x0  }
0x82: {  	[sflag:s31] =	ssyncadd.s32 $0xFFFFF800  }
0x83: {  	_ =	swait.ge [sflag:s31], $0x800  }
0x84: {  	[sflag:s31] =	ssyncset.done $0x0  }
0x85: {  	[sflag:s31] =	ssyncadd.s32 $0xFFFFF800  }
0x86: {  	_ =	swait.ge [sflag:s31], $0x800  }
0x87: {  	[sflag:s31] =	ssyncset.done $0x0  }
0x88: {  	s17 =	rddreg [dreg:$0x4];
	[sflag:s31] =	ssyncadd.s32 $0xFFFFF800  }
0x89: {  	[hbm4b:s17+s2] =	stream.linear.scatter [tilespmem:s6], [sflag:$0x2], $0x2000, $0x38;
	[tilespmem:$0xAA00] =	vst v63  }
0x8a: {  	s20 =	ssub.s32 $0x2, s1;
	_ =	swait.ge [sflag:s3], $0x2000  }
0x8b: {  	s1 =	sshrl.u32 s20, $0x1;
	[sflag:s3] =	ssyncset.done $0x0  }
0x8c: {  	s0 =	ssub.s32 s20, s1;
	s18 =	rddreg [dreg:$0x5];
	[sflag:s3] =	ssyncadd.s32 $0xFFFFE000  }
0x8d: {  	[hbm4b:s18+s2] =	stream.linear.scatter [tilespmem:s8], [sflag:$0x2], $0x2000, $0x38;
	[tilespmem:$0xAA00] =	vst v63  }
0x8e: {  	s0 =	smax.u32 s0, $0x1;
	_ =	swait.ge [sflag:s3], $0x2000  }
0x8f: {  	p0 =	sne.s32 s0, $0x1;
	[sflag:s3] =	ssyncset.done $0x0  }
.Ltmp0:
0x90: {  	s21 =	rddreg [dreg:$0x6];
	[sflag:s3] =	ssyncadd.s32 $0xFFFFE000;
	(pc) =	sbr.rel @!p0 .LBB2_2-.Ltmp0, $4  }
0x91: {  	[hbm4b:s21+s2] =	stream.linear.scatter [tilespmem:s10], [sflag:$0x2], $0x2000, $0x38;
	[tilespmem:$0xAA00] =	vst v63  }
0x92: {  	_ =	swait.ge [sflag:s3], $0x2000  }
0x93: {  	[sflag:s3] =	ssyncset.done $0x0  }
0x94: {  	s1 =	sadd.s32 $0xFFFFFFFF, s0;
	s0 =	rddreg [dreg:$0x7];
	[sflag:s3] =	ssyncadd.s32 $0xFFFFE000  }
.LBB2_1:
0x95: {  	[hbm4b:s0+s2] =	stream.linear.scatter [tilespmem:s13], [sflag:$0x2], $0x2000, $0x38;
	[tilespmem:$0xAA00] =	vst v63  }
0x96: {  	_ =	swait.ge [sflag:s3], $0x2000  }
0x97: {  	[sflag:s3] =	ssyncset.done $0x0  }
0x98: {  	s17 =	rddreg [dreg:$0x8];
	[sflag:s3] =	ssyncadd.s32 $0xFFFFE000  }
0x99: {  	[hbm4b:s17+s2] =	stream.linear.scatter [tilespmem:s19], [sflag:$0x2], $0x2000, $0x38;
	[tilespmem:$0xAA00] =	vst v63  }
0x9a: {  	_ =	swait.ge [sflag:s3], $0x2000  }
0x9b: {  	[sflag:s3] =	ssyncset.done $0x0  }
0x9c: {  	s18 =	rddreg [dreg:$0x3];
	[sflag:s3] =	ssyncadd.s32 $0xFFFFE000  }
0x9d: {  	[tilespmem:s2], [sflag:$0x2] =	stream.linear.gather [hbm4b:s18+s2], $0xA00, $0x38;
	[tilespmem:$0xAA00] =	vst v63  }
0x9e: {  	_ =	swait.ge [sflag:s3], $0xA00  }
0x9f: {  	s0 =	rddreg [dreg:$0x17]  }
0xa0: {  	s11 =	rddreg [dreg:$0x14]  }
0xa1: {  	s14 =	rddreg [dreg:$0x12]  }
0xa2: {  	s15 =	rddreg [dreg:$0x10]  }
0xa3: {  	s16 =	rddreg [dreg:$0xe]  }
0xa4: {  	[sflag:s3] =	ssyncset.done $0x0;
	s17 =	rddreg [dreg:$0xa]  }
0xa5: {  	s18 =	rddreg [dreg:$0x9];
	[sflag:s3] =	ssyncadd.s32 $0xFFFFF600  }
0xa6: {  	[tilespmem:s6], [sflag:$0x1] =	stream.indirect.gather [hbm4b:s4+s5], $0x10, s2, s5, $0xb8;
	[tilespmem:$0xAA00] =	vst v63  }
0xa7: {  	s20 =	rddreg [dreg:$0xb]  }
0xa8: {  	[tilespmem:s18], [sflag:$0x1] =	stream.indirect.gather [hbm4b:s4+s5], $0x10, s5, s5, $0xb8;
	[tilespmem:$0xAA00] =	vst v63  }
0xa9: {  	s21 =	rddreg [dreg:$0xd]  }
0xaa: {  	[tilespmem:s20], [sflag:$0x1] =	stream.indirect.gather [hbm4b:s4+s5], $0x10, s17, s5, $0xb8;
	[tilespmem:$0xAA00] =	vst v63  }
0xab: {  	s18 =	rddreg [dreg:$0xc]  }
0xac: {  	[tilespmem:s21], [sflag:$0x1] =	stream.indirect.gather [hbm4b:s4+s5], $0x10, s18, s5, $0xb8;
	[tilespmem:$0xAA00] =	vst v63  }
0xad: {  	s17 =	rddreg [dreg:$0x19]  }
0xae: {  	[tilespmem:s8], [sflag:$0x1] =	stream.indirect.gather [hbm4b:s7+s5], $0x10, s16, s5, $0xb8;
	[tilespmem:$0xAA00] =	vst v63  }
0xaf: {  	s20 =	rddreg [dreg:$0xf]  }
0xb0: {  	[tilespmem:s15], [sflag:$0x1] =	stream.indirect.gather [hbm4b:s7+s5], $0x10, s20, s5, $0xb8;
	[tilespmem:$0xAA00] =	vst v63  }
0xb1: {  	s21 =	rddreg [dreg:$0x11]  }
0xb2: {  	[tilespmem:s14], [sflag:$0x1] =	stream.indirect.gather [hbm4b:s7+s5], $0x10, s21, s5, $0xb8;
	[tilespmem:$0xAA00] =	vst v63  }
0xb3: {  	s18 =	rddreg [dreg:$0x13]  }
0xb4: {  	[tilespmem:s11], [sflag:$0x1] =	stream.indirect.gather [hbm4b:s7+s5], $0x10, s18, s5, $0xb8;
	[tilespmem:$0xAA00] =	vst v63  }
0xb5: {  	s20 =	rddreg [dreg:$0x15]  }
0xb6: {  	[tilespmem:s10], [sflag:$0x1] =	stream.indirect.gather [hbm4b:s9+s5], $0x10, s20, s5, $0xb8;
	[tilespmem:$0xAA00] =	vst v63  }
0xb7: {  	s21 =	rddreg [dreg:$0x16]  }
0xb8: {  	[tilespmem:s0], [sflag:$0x1] =	stream.indirect.gather [hbm4b:s9+s5], $0x10, s21, s5, $0xb8;
	[tilespmem:$0xAA00] =	vst v63  }
0xb9: {  	s15 =	rddreg [dreg:$0x18]  }
0xba: {  	[tilespmem:s17], [sflag:$0x1] =	stream.indirect.gather [hbm4b:s9+s5], $0x10, s15, s5, $0xb8;
	[tilespmem:$0xAA00] =	vst v63  }
0xbb: {  	s16 =	rddreg [dreg:$0x1a];
	s17 =	simm.s32 $0x6200  }
0xbc: {  	[tilespmem:s17], [sflag:$0x1] =	stream.indirect.gather [hbm4b:s9+s5], $0x10, s16, s5, $0xb8;
	[tilespmem:$0xAA00] =	vst v63  }
0xbd: {  	s18 =	simm.s32 $0x600  }
0xbe: {  	[tilespmem:s13], [sflag:$0x1] =	stream.indirect.gather [hbm4b:s12+s5], $0x10, s18, s5, $0xb8;
	[tilespmem:$0xAA00] =	vst v63  }
0xbf: {  	s20 =	simm.s32 $0x680;
	s21 =	simm.s32 $0x7200  }
0xc0: {  	[tilespmem:s21], [sflag:$0x1] =	stream.indirect.gather [hbm4b:s12+s5], $0x10, s20, s5, $0xb8;
	[tilespmem:$0xAA00] =	vst v63  }
0xc1: {  	s14 =	simm.s32 $0x700;
	s15 =	simm.s32 $0x7A00  }
0xc2: {  	[tilespmem:s15], [sflag:$0x1] =	stream.indirect.gather [hbm4b:s12+s5], $0x10, s14, s5, $0xb8;
	[tilespmem:$0xAA00] =	vst v63  }
0xc3: {  	s16 =	simm.s32 $0x780;
	s17 =	simm.s32 $0x8200  }
0xc4: {  	[tilespmem:s17], [sflag:$0x1] =	stream.indirect.gather [hbm4b:s12+s5], $0x10, s16, s5, $0xb8;
	[tilespmem:$0xAA00] =	vst v63  }
0xc5: {  	_ = 	snop  }
0xc6: {  	[tilespmem:s19], [sflag:$0x1] =	stream.indirect.gather [hbm4b:s22+s5], $0x10, s23, s5, $0xb8;
	[tilespmem:$0xAA00] =	vst v63  }
0xc7: {  	_ = 	snop  }
0xc8: {  	[tilespmem:s25], [sflag:$0x1] =	stream.indirect.gather [hbm4b:s22+s5], $0x10, s24, s5, $0xb8;
	[tilespmem:$0xAA00] =	vst v63  }
0xc9: {  	_ = 	snop  }
0xca: {  	[tilespmem:s28], [sflag:$0x1] =	stream.indirect.gather [hbm4b:s22+s5], $0x10, s26, s5, $0xb8;
	[tilespmem:$0xAA00] =	vst v63  }
0xcb: {  	_ = 	snop  }
0xcc: {  	[tilespmem:s30], [sflag:$0x1] =	stream.indirect.gather [hbm4b:s22+s5], $0x10, s29, s5, $0xb8;
	[tilespmem:$0xAA00] =	vst v63  }
0xcd: {  	_ =	swait.ge [sflag:s31], $0x800  }
0xce: {  	[sflag:s31] =	ssyncset.done $0x0  }
0xcf: {  	[sflag:s31] =	ssyncadd.s32 $0xFFFFF800  }
0xd0: {  	_ =	swait.ge [sflag:s31], $0x800  }
0xd1: {  	[sflag:s31] =	ssyncset.done $0x0  }
0xd2: {  	[sflag:s31] =	ssyncadd.s32 $0xFFFFF800  }
0xd3: {  	_ =	swait.ge [sflag:s31], $0x800  }
0xd4: {  	[sflag:s31] =	ssyncset.done $0x0  }
0xd5: {  	[sflag:s31] =	ssyncadd.s32 $0xFFFFF800  }
0xd6: {  	_ =	swait.ge [sflag:s31], $0x800  }
0xd7: {  	[sflag:s31] =	ssyncset.done $0x0  }
0xd8: {  	[sflag:s31] =	ssyncadd.s32 $0xFFFFF800  }
0xd9: {  	_ =	swait.ge [sflag:s31], $0x800  }
0xda: {  	[sflag:s31] =	ssyncset.done $0x0  }
0xdb: {  	[sflag:s31] =	ssyncadd.s32 $0xFFFFF800  }
0xdc: {  	_ =	swait.ge [sflag:s31], $0x800  }
0xdd: {  	[sflag:s31] =	ssyncset.done $0x0  }
0xde: {  	[sflag:s31] =	ssyncadd.s32 $0xFFFFF800  }
0xdf: {  	_ =	swait.ge [sflag:s31], $0x800  }
0xe0: {  	[sflag:s31] =	ssyncset.done $0x0  }
0xe1: {  	[sflag:s31] =	ssyncadd.s32 $0xFFFFF800  }
0xe2: {  	_ =	swait.ge [sflag:s31], $0x800  }
0xe3: {  	[sflag:s31] =	ssyncset.done $0x0  }
0xe4: {  	[sflag:s31] =	ssyncadd.s32 $0xFFFFF800  }
0xe5: {  	_ =	swait.ge [sflag:s31], $0x800  }
0xe6: {  	[sflag:s31] =	ssyncset.done $0x0  }
0xe7: {  	[sflag:s31] =	ssyncadd.s32 $0xFFFFF800  }
0xe8: {  	_ =	swait.ge [sflag:s31], $0x800  }
0xe9: {  	[sflag:s31] =	ssyncset.done $0x0  }
0xea: {  	[sflag:s31] =	ssyncadd.s32 $0xFFFFF800  }
0xeb: {  	_ =	swait.ge [sflag:s31], $0x800  }
0xec: {  	[sflag:s31] =	ssyncset.done $0x0  }
0xed: {  	[sflag:s31] =	ssyncadd.s32 $0xFFFFF800  }
0xee: {  	_ =	swait.ge [sflag:s31], $0x800  }
0xef: {  	[sflag:s31] =	ssyncset.done $0x0  }
0xf0: {  	[sflag:s31] =	ssyncadd.s32 $0xFFFFF800  }
0xf1: {  	_ =	swait.ge [sflag:s31], $0x800  }
0xf2: {  	[sflag:s31] =	ssyncset.done $0x0  }
0xf3: {  	[sflag:s31] =	ssyncadd.s32 $0xFFFFF800  }
0xf4: {  	_ =	swait.ge [sflag:s31], $0x800  }
0xf5: {  	[sflag:s31] =	ssyncset.done $0x0  }
0xf6: {  	[sflag:s31] =	ssyncadd.s32 $0xFFFFF800  }
0xf7: {  	_ =	swait.ge [sflag:s31], $0x800  }
0xf8: {  	[sflag:s31] =	ssyncset.done $0x0  }
0xf9: {  	[sflag:s31] =	ssyncadd.s32 $0xFFFFF800  }
0xfa: {  	_ =	swait.ge [sflag:s31], $0x800  }
0xfb: {  	[sflag:s31] =	ssyncset.done $0x0  }
0xfc: {  	[sflag:s31] =	ssyncadd.s32 $0xFFFFF800  }
0xfd: {  	_ =	swait.ge [sflag:s31], $0x800  }
0xfe: {  	[sflag:s31] =	ssyncset.done $0x0  }
0xff: {  	[sflag:s31] =	ssyncadd.s32 $0xFFFFF800  }
0x100: {  	_ =	swait.ge [sflag:s31], $0x800  }
0x101: {  	[sflag:s31] =	ssyncset.done $0x0  }
0x102: {  	[sflag:s31] =	ssyncadd.s32 $0xFFFFF800  }
0x103: {  	_ =	swait.ge [sflag:s31], $0x800  }
0x104: {  	[sflag:s31] =	ssyncset.done $0x0  }
0x105: {  	[sflag:s31] =	ssyncadd.s32 $0xFFFFF800  }
0x106: {  	_ =	swait.ge [sflag:s31], $0x800  }
0x107: {  	[sflag:s31] =	ssyncset.done $0x0  }
0x108: {  	s18 =	rddreg [dreg:$0x4];
	[sflag:s31] =	ssyncadd.s32 $0xFFFFF800  }
0x109: {  	[hbm4b:s18+s2] =	stream.linear.scatter [tilespmem:s6], [sflag:$0x2], $0x2000, $0x38;
	[tilespmem:$0xAA00] =	vst v63  }
0x10a: {  	_ =	swait.ge [sflag:s3], $0x2000  }
0x10b: {  	[sflag:s3] =	ssyncset.done $0x0  }
0x10c: {  	s20 =	rddreg [dreg:$0x5];
	[sflag:s3] =	ssyncadd.s32 $0xFFFFE000  }
0x10d: {  	[hbm4b:s20+s2] =	stream.linear.scatter [tilespmem:s8], [sflag:$0x2], $0x2000, $0x38;
	[tilespmem:$0xAA00] =	vst v63  }
0x10e: {  	_ =	swait.ge [sflag:s3], $0x2000  }
0x10f: {  	p0 =	sne.s32 s1, $0x1;
	[sflag:s3] =	ssyncset.done $0x0  }
.Ltmp1:
0x110: {  	s21 =	rddreg [dreg:$0x6];
	[sflag:s3] =	ssyncadd.s32 $0xFFFFE000;
	(pc) =	sbr.rel @p0 .LBB2_1-.Ltmp1, $4  }
0x111: {  	[hbm4b:s21+s2] =	stream.linear.scatter [tilespmem:s10], [sflag:$0x2], $0x2000, $0x38;
	[tilespmem:$0xAA00] =	vst v63  }
0x112: {  	_ =	swait.ge [sflag:s3], $0x2000  }
0x113: {  	[sflag:s3] =	ssyncset.done $0x0  }
0x114: {  	s1 =	sadd.s32 $0xFFFFFFFF, s1;
	s0 =	rddreg [dreg:$0x7];
	[sflag:s3] =	ssyncadd.s32 $0xFFFFE000  }
.LBB2_2:
0x115: {  	[hbm4b:s0+s2] =	stream.linear.scatter [tilespmem:s13], [sflag:$0x2], $0x2000, $0x38;
	[tilespmem:$0xAA00] =	vst v63  }
0x116: {  	_ =	swait.ge [sflag:s3], $0x2000  }
0x117: {  	[sflag:s3] =	ssyncset.done $0x0  }
0x118: {  	s30 =	rddreg [dreg:$0x8];
	[sflag:s3] =	ssyncadd.s32 $0xFFFFE000  }
0x119: {  	[hbm4b:s30+s2] =	stream.linear.scatter [tilespmem:s19], [sflag:$0x2], $0x2000, $0x38;
	[tilespmem:$0xAA00] =	vst v63  }
0x11a: {  	_ =	swait.ge [sflag:s3], $0x2000  }
0x11b: {  	[sflag:s3] =	ssyncset.done $0x0  }
0x11c: {  	[sflag:s3] =	ssyncadd.s32 $0xFFFFE000  }
0x11d: {  	_ =	sfence.sel $0x180000  }
0x11e: {  	[bflag:$0x0] =	sbarrier.arrive $0xFFFF  }
0x11f: {  	_ =	strace $0x90000047  }
0x120: {  	s31 =	stileid.u32;
	[bflag:$0x2] =	sbarrier.arrive $0xFFFF  }
0x121: {  	p0 =	sne.s32 s31, $0x0;
	s0 =	rddreg [dreg:$0x2]  }
0x122: {  	s0 =	sadd.s32 @!p0 $0x100000, s0  }
0x123: {  	[sflag:s0] =	ssyncadd.tile.s32 @!p0 $0x1;
	_ =	shalt  }
.Lfunc_end2:
_tile_overlayer_lowered:
.L_overlay_start_2:
0x124: {  	(tag) =	ssettag $0x2  }
0x125: {  	s0 =	rddreg [dreg:$0x0];
	s2 =	stileid.u32  }
0x126: {  	s1 =	rddreg [dreg:$0x1];
	p0 =	sne.s32 s2, $0x0  }
0x127: {  	s3 =	rddreg [dreg:$0x2];
	[bflag:$0x3] =	sbarrier.arrive $0xFFFF;
	s2 =	simm.s32 @!p0 $0x1C02  }
0x128: {  	[timem:s3], [sflag:s2] =	dma.local @!p0 [hbm:s0], s1  }
0x129: {  	s0 =	simm.s32 @!p0 $0x2  }
0x12a: {  	_ =	swait.ge @!p0 [sflag:s0], s1  }
0x12b: {  	s1 =	ssub.s32 @!p0 $0x0, s1;
	[sflag:s0] =	ssyncset.done @!p0 $0x0  }
0x12c: {  	[sflag:s0] =	ssyncadd.s32 @!p0 s1  }
0x12d: {  	[bflag:$0x3] =	sbarrier.arrive $0xFFFF  }
0x12e: {  	_ =	shalt  }

</sc_bundles>
